<compile_context>
chip_gen: v7x
topology: tpu7x:2x2x1
jax: 0.10.2.dev20260603
libtpu: 0.0.44.dev20260713+nightly
codegen_flags: <defaults>
</compile_context>

<pallas_src>
import functools

import jax
import jax.numpy as jnp
from jax import lax
from jax.experimental import pallas as pl
from jax.experimental.pallas import tpu as pltpu
from jax.experimental.pallas import tpu_sc as plsc

B, L, N, H = 32, 8192, 64, 128
NUM_REL = 8
NC, NS = 2, 16
TB = 4
M = TB * N


NH = N // 2


def _sc_gather_body(emb_hbm, ids_hbm, out_hbm, idxa_v, idxb_v,
                    rowsa_v, rowsb_v, sema, semb):
    wid = lax.axis_index("s") * NC + lax.axis_index("c")
    pltpu.sync_copy(ids_hbm.at[wid, pl.ds(0, NH)], idxa_v)
    for i in range(NH // 16):
        sl = pl.ds(i * 16, 16)
        idxa_v[sl] = idxa_v[sl] + wid * L
    cpa = pltpu.async_copy(emb_hbm.at[idxa_v], rowsa_v, sema)
    pltpu.sync_copy(ids_hbm.at[wid, pl.ds(NH, NH)], idxb_v)
    for i in range(NH // 16):
        sl = pl.ds(i * 16, 16)
        idxb_v[sl] = idxb_v[sl] + wid * L
    cpb = pltpu.async_copy(emb_hbm.at[idxb_v], rowsb_v, semb)
    cpa.wait()
    pltpu.sync_copy(rowsa_v, out_hbm.at[wid, pl.ds(0, NH)])
    cpb.wait()
    pltpu.sync_copy(rowsb_v, out_hbm.at[wid, pl.ds(NH, NH)])


def _sc_gather(emb_flat, num_ids):
    mesh = plsc.VectorSubcoreMesh(core_axis_name="c", subcore_axis_name="s")
    k = functools.partial(
        pl.kernel,
        mesh=mesh,
        out_type=jax.ShapeDtypeStruct((B, N, H), jnp.float32),
        scratch_types=[
            pltpu.VMEM((NH,), jnp.int32),
            pltpu.VMEM((NH,), jnp.int32),
            pltpu.VMEM((NH, H), jnp.float32),
            pltpu.VMEM((NH, H), jnp.float32),
            pltpu.SemaphoreType.DMA,
            pltpu.SemaphoreType.DMA,
        ],
    )(_sc_gather_body)
    return k(emb_flat, num_ids)


def _nt(m, w):
    return lax.dot_general(m, w, (((1,), (1,)), ((), ())),
                           preferred_element_type=jnp.float32)


GS = 2
CH = B // (TB * GS)


def _dense_body(x_ref, ncol_ref, nrow_ref, rcol_ref, wa_ref, ba_ref,
                wf_ref, bf_ref, wr_ref, out_ref):
    bf16 = jnp.bfloat16
    ii = lax.broadcasted_iota(jnp.int32, (M, M), 0)
    jj = lax.broadcasted_iota(jnp.int32, (M, M), 1)
    valid = jnp.where((ii != jj) & ((ii >> 6) == (jj >> 6)), 1.0, 0.0)
    wa = wa_ref[...]
    bf = bf_ref[...]
    ba = ba_ref[...]

    for c in range(CH):
        x = x_ref[0, c]
        nrow = nrow_ref[0, c]
        ncol = ncol_ref[0, c]
        rcol = rcol_ref[0, c]

        lin = jnp.sum(x * wa, axis=1, keepdims=True) + ba
        a = (1.0 / (N - 1)) / (1.0 + jnp.exp(-lin))

        ax = x * a
        x1 = jnp.where(rcol > 0.5, ax, 0.0)
        x0 = ax - x1

        G = jnp.where(ncol > nrow, valid, 0.0)

        A0 = jnp.dot(G, x0, preferred_element_type=jnp.float32)
        A1 = jnp.dot(G, x1, preferred_element_type=jnp.float32)
        cs0 = jnp.sum(x0.reshape(TB, N, H), axis=1, keepdims=True)
        cs1 = jnp.sum(x1.reshape(TB, N, H), axis=1, keepdims=True)
        S0 = jnp.broadcast_to(cs0, (TB, N, H)).reshape(M, H)
        S1 = jnp.broadcast_to(cs1, (TB, N, H)).reshape(M, H)
        B0 = S0 - x0 - A0
        B1 = S1 - x1 - A1
        msg0 = _nt(A0, wr_ref[4]) + _nt(A1, wr_ref[5]) + _nt(B0, wr_ref[0]) + _nt(B1, wr_ref[1])
        msg1 = _nt(A0, wr_ref[6]) + _nt(A1, wr_ref[7]) + _nt(B0, wr_ref[2]) + _nt(B1, wr_ref[3])
        msg = jnp.where(rcol > 0.5, msg1, msg0)

        y = _nt(x, wf_ref[...]) + bf + msg
        out_ref[0, c] = jnp.maximum(y, 0.0)


def _dense(x, ncol, nrow, rcol, wa, ba, wf, bf, wr, interpret=False):
    out = pl.pallas_call(
        _dense_body,
        grid=(GS,),
        in_specs=[
            pl.BlockSpec((1, CH, M, H), lambda i: (i, 0, 0, 0)),
            pl.BlockSpec((1, CH, M, 1), lambda i: (i, 0, 0, 0)),
            pl.BlockSpec((1, CH, 1, M), lambda i: (i, 0, 0, 0)),
            pl.BlockSpec((1, CH, M, 1), lambda i: (i, 0, 0, 0)),
            pl.BlockSpec((1, H), lambda i: (0, 0)),
            pl.BlockSpec((1, 1), lambda i: (0, 0)),
            pl.BlockSpec((H, H), lambda i: (0, 0)),
            pl.BlockSpec((1, H), lambda i: (0, 0)),
            pl.BlockSpec((NUM_REL, H, H), lambda i: (0, 0, 0)),
        ],
        out_specs=pl.BlockSpec((1, CH, M, H), lambda i: (i, 0, 0, 0)),
        out_shape=jax.ShapeDtypeStruct((GS, CH, M, H), jnp.float32),
        interpret=interpret,
    )(x.reshape(GS, CH, M, H), ncol, nrow, rcol, wa, ba, wf, bf, wr)
    return out.reshape(B, N, H)


def _prep(numbers, is_response, W_alpha, b_alpha, W_f, b_f, W_r):
    isr = is_response.astype(jnp.float32)
    return (numbers.reshape(GS, CH, M, 1), numbers.reshape(GS, CH, 1, M),
            isr.reshape(GS, CH, M, 1), W_alpha.reshape(1, H),
            b_alpha.reshape(1, 1), W_f, b_f.reshape(1, H), W_r)


def kernel(word_emb, num_ids, is_response, numbers, W_alpha, b_alpha, W_f, b_f, W_r):
    init_emb = _sc_gather(word_emb.reshape(B * L, H), num_ids)
    args = _prep(numbers, is_response, W_alpha, b_alpha, W_f, b_f, W_r)
    return _dense(init_emb, *args)

# --- scband reference (transcript-rebuilt; emitter-appended) ---
"""Pipeline reference for scband-numerical-reasoning-40776419508954 (READ-ONLY COPY).

The authoritative reference and input builder live on the scoring server;
editing this copy changes nothing except your own understanding.
"""

import jax, jax.numpy as jnp
import numpy as np

B, L, N, H = 32, 8192, 64, 128
NUM_REL = 8

def setup_inputs(seed: int = 0):
    key = jax.random.key(seed)
    ks = jax.random.split(key, 8)
    word_emb = jax.random.normal(ks[0], (B, L, H), dtype=jnp.float32)
    num_ids = jax.random.randint(ks[1], (B, N), 0, L, dtype=jnp.int32)
    is_response = jax.random.randint(ks[2], (B, N), 0, 2, dtype=jnp.int32)
    numbers = jax.random.uniform(ks[3], (B, N), dtype=jnp.float32)
    s = 1.0 / np.sqrt(H)
    W_alpha = jax.random.uniform(ks[4], (H, 1), minval=-s, maxval=s, dtype=jnp.float32)
    b_alpha = jnp.zeros((1,), dtype=jnp.float32)
    W_f = jax.random.uniform(ks[5], (H, H), minval=-s, maxval=s, dtype=jnp.float32)
    b_f = jnp.zeros((H,), dtype=jnp.float32)
    W_r = jax.random.uniform(ks[6], (NUM_REL, H, H), minval=-s, maxval=s, dtype=jnp.float32)
    return {"word_emb": word_emb, "num_ids": num_ids, "is_response": is_response,
            "numbers": numbers, "W_alpha": W_alpha, "b_alpha": b_alpha,
            "W_f": W_f, "b_f": b_f, "W_r": W_r}

def reference(word_emb, num_ids, is_response, numbers, W_alpha, b_alpha, W_f, b_f, W_r):
    # InitEmbedding = word_emb[b, num_ids[b]]  (per-batch gather of number-token embeddings)
    init_emb = jnp.take_along_axis(word_emb, num_ids[:, :, None], axis=1)  # [B,N,H]
    # alpha = sigmoid(linear_alpha(InitEmbedding))
    alpha = jax.nn.sigmoid(init_emb @ W_alpha + b_alpha)  # [B,N,1]
    a = alpha[..., 0]  # [B,N]
    # Apply each of the 8 relation-specific (bias-free) linears: T[b,r,j,:] = linears[r](init_emb[b,j])
    T = jnp.einsum('bjh,rgh->brjg', init_emb, W_r)  # [B,R,N,H]
    # choose(is_response, numbers, i, j) = 4*(numbers[i] > numbers[j]) + 2*is_response[i] + is_response[j]
    gt = (numbers[:, :, None] > numbers[:, None, :]).astype(jnp.int32)  # [B,N,N]
    rel = 4 * gt + 2 * is_response[:, :, None] + is_response[:, None, :]  # [B,N,N] in [0,8)
    onehot = jax.nn.one_hot(rel, NUM_REL, dtype=word_emb.dtype)  # [B,N,N,R]
    mask = (1.0 - jnp.eye(N, dtype=word_emb.dtype))[None, :, :, None]  # exclude i == j
    onehot = onehot * mask
    # TempEmbedding[b,i] = (1/(N-1)) * sum_{j != i} alpha[b,j] * linears[rel(i,j)](init_emb[b,j])
    msg = jnp.einsum('bijr,brjg,bj->big', onehot, T, a) / (N - 1)  # [B,N,H]
    out = jax.nn.relu(init_emb @ W_f.T + b_f + msg)
    return out

if __name__ == "__main__":
    import jax
    _d = setup_inputs()
    print(jax.jit(kernel)(*tuple(_d.values())))

</pallas_src>

<mosaic_0001>
#map = affine_map<(d0, d1) -> (0, 0)>
#map1 = affine_map<(d0, d1) -> (0, 0, 0)>
module attributes {stable_mosaic.version = 14 : i64} {
  func.func @_sc_gather_body(%arg0: i32, %arg1: i32, %arg2: memref<262144x128xf32, #tpu.memory_space<hbm>>, %arg3: memref<32x64xi32, #tpu.memory_space<hbm>>, %arg4: memref<32x64x128xf32, #tpu.memory_space<hbm>>, %arg5: memref<32xi32, #tpu.memory_space<vmem>>, %arg6: memref<32xi32, #tpu.memory_space<vmem>>, %arg7: memref<32x128xf32, #tpu.memory_space<vmem>>, %arg8: memref<32x128xf32, #tpu.memory_space<vmem>>, %arg9: memref<!tpu.dma_semaphore, #tpu.memory_space<semaphore_mem>>, %arg10: memref<!tpu.dma_semaphore, #tpu.memory_space<semaphore_mem>>) attributes {dimension_semantics = [#tpu.dimension_semantics<core_parallel>, #tpu.dimension_semantics<subcore_parallel>], iteration_bounds = array<i64: 2, 16>, scalar_prefetch = 0 : i64, scratch_operands = 6 : i64, tpu.core_type = #tpu.core_type<sc_vector_subcore>, window_params = [{transform_indices = #map}, {transform_indices = #map}, {transform_indices = #map1}]} {
    %mul3A = arith.constant 2 : i32
    %mul3A_0 = arith.muli %arg1, %mul3A : i32
    %add3A = arith.addi %mul3A_0, %arg0 : i32
    "tpu.region"() ({
      %run_scoped3A = tpu.sem_alloc : memref<!tpu.dma_semaphore, #tpu.memory_space<semaphore_mem>>
      %dma_start3A_53 = arith.constant 0 : i32
      %dma_start3A_54 = tpu.memref_slice %arg3[%add3A, %dma_start3A_53] : memref<32x64xi32, #tpu.memory_space<hbm>> -> memref<1x32xi32, #tpu.memory_space<hbm>>
      %dma_start3A_55 = tpu.memref_squeeze %dma_start3A_54 : memref<1x32xi32, #tpu.memory_space<hbm>> -> memref<32xi32, #tpu.memory_space<hbm>>
      %dma_start3A_56 = arith.constant 0 : i32
      %dma_start3A_57 = tpu.memref_slice %arg3[%add3A, %dma_start3A_56] : memref<32x64xi32, #tpu.memory_space<hbm>> -> memref<1x32xi32, #tpu.memory_space<hbm>>
      %dma_start3A_58 = tpu.memref_squeeze %dma_start3A_57 : memref<1x32xi32, #tpu.memory_space<hbm>> -> memref<32xi32, #tpu.memory_space<hbm>>
      tpu.enqueue_dma source(%dma_start3A_58 : memref<32xi32, #tpu.memory_space<hbm>>) target(%arg5 : memref<32xi32, #tpu.memory_space<vmem>>) target_semaphore(%run_scoped3A : memref<!tpu.dma_semaphore, #tpu.memory_space<semaphore_mem>>)
      %dma_wait3A_59 = arith.constant 0 : i32
      %dma_wait3A_60 = tpu.memref_slice %arg3[%add3A, %dma_wait3A_59] : memref<32x64xi32, #tpu.memory_space<hbm>> -> memref<1x32xi32, #tpu.memory_space<hbm>>
      %dma_wait3A_61 = tpu.memref_squeeze %dma_wait3A_60 : memref<1x32xi32, #tpu.memory_space<hbm>> -> memref<32xi32, #tpu.memory_space<hbm>>
      %dma_wait3A_62 = arith.constant 0 : i32
      %dma_wait3A_63 = tpu.memref_slice %arg3[%add3A, %dma_wait3A_62] : memref<32x64xi32, #tpu.memory_space<hbm>> -> memref<1x32xi32, #tpu.memory_space<hbm>>
      %dma_wait3A_64 = tpu.memref_squeeze %dma_wait3A_63 : memref<1x32xi32, #tpu.memory_space<hbm>> -> memref<32xi32, #tpu.memory_space<hbm>>
      tpu.wait_dma2 semaphore(%run_scoped3A : memref<!tpu.dma_semaphore, #tpu.memory_space<semaphore_mem>>) src(%dma_wait3A_64 : memref<32xi32, #tpu.memory_space<hbm>>) dst(%arg5 : memref<32xi32, #tpu.memory_space<vmem>>)
      tpu.yield
    }) : () -> ()
    %get3A = arith.constant 0 : index
    %get3A_1 = tpu.vector_load %arg5[%get3A] {strides = array<i32>} : memref<32xi32, #tpu.memory_space<vmem>>, vector<16xi32>,
    %get3A_2 = vector.shape_cast %get3A_1 : vector<16xi32> to vector<16xi32>
    %mul3A_3 = arith.constant 8192 : i32
    %mul3A_4 = arith.muli %add3A, %mul3A_3 : i32
    %add3A_5 = vector.broadcast %mul3A_4 : i32 to vector<16xi32>
    %add3A_6 = arith.addi %get3A_2, %add3A_5 : vector<16xi32>
    %swap3A = arith.constant 0 : index
    %swap3A_7 = tpu.vector_load %arg5[%swap3A] {strides = array<i32>} : memref<32xi32, #tpu.memory_space<vmem>>, vector<16xi32>,
    %swap3A_8 = vector.shape_cast %swap3A_7 : vector<16xi32> to vector<16xi32>
    %swap3A_9 = vector.shape_cast %add3A_6 : vector<16xi32> to vector<16xi32>
    tpu.vector_store %arg5[%swap3A], %swap3A_9 {strides = array<i32>} : memref<32xi32, #tpu.memory_space<vmem>>, vector<16xi32>,
    %get3A_10 = arith.constant 16 : index
    %get3A_11 = tpu.vector_load %arg5[%get3A_10] {strides = array<i32>} : memref<32xi32, #tpu.memory_space<vmem>>, vector<16xi32>,
    %get3A_12 = vector.shape_cast %get3A_11 : vector<16xi32> to vector<16xi32>
    %mul3A_13 = arith.constant 8192 : i32
    %mul3A_14 = arith.muli %add3A, %mul3A_13 : i32
    %add3A_15 = vector.broadcast %mul3A_14 : i32 to vector<16xi32>
    %add3A_16 = arith.addi %get3A_12, %add3A_15 : vector<16xi32>
    %swap3A_17 = arith.constant 16 : index
    %swap3A_18 = tpu.vector_load %arg5[%swap3A_17] {strides = array<i32>} : memref<32xi32, #tpu.memory_space<vmem>>, vector<16xi32>,
    %swap3A_19 = vector.shape_cast %swap3A_18 : vector<16xi32> to vector<16xi32>
    %swap3A_20 = vector.shape_cast %add3A_16 : vector<16xi32> to vector<16xi32>
    tpu.vector_store %arg5[%swap3A_17], %swap3A_20 {strides = array<i32>} : memref<32xi32, #tpu.memory_space<vmem>>, vector<16xi32>,
    %dma_start3A = arith.constant 0 : i32
    %dma_start3A_21 = arith.constant 0 : i32
    %dma_start3A_22 = tpu.memref_slice %arg2[%dma_start3A, %dma_start3A_21] : memref<262144x128xf32, #tpu.memory_space<hbm>> -> memref<262144x128xf32, #tpu.memory_space<hbm>>
    tpu.enqueue_indirect_dma source(%dma_start3A_22 : memref<262144x128xf32, #tpu.memory_space<hbm>>) target(%arg7 : memref<32x128xf32, #tpu.memory_space<vmem>>) offsets(%arg5 : memref<32xi32, #tpu.memory_space<vmem>>) semaphore(%arg9 : memref<!tpu.dma_semaphore, #tpu.memory_space<semaphore_mem>>)
    "tpu.region"() ({
      %run_scoped3A = tpu.sem_alloc : memref<!tpu.dma_semaphore, #tpu.memory_space<semaphore_mem>>
      %dma_start3A_53 = arith.constant 32 : i32
      %dma_start3A_54 = tpu.memref_slice %arg3[%add3A, %dma_start3A_53] : memref<32x64xi32, #tpu.memory_space<hbm>> -> memref<1x32xi32, #tpu.memory_space<hbm>>
      %dma_start3A_55 = tpu.memref_squeeze %dma_start3A_54 : memref<1x32xi32, #tpu.memory_space<hbm>> -> memref<32xi32, #tpu.memory_space<hbm>>
      %dma_start3A_56 = arith.constant 32 : i32
      %dma_start3A_57 = tpu.memref_slice %arg3[%add3A, %dma_start3A_56] : memref<32x64xi32, #tpu.memory_space<hbm>> -> memref<1x32xi32, #tpu.memory_space<hbm>>
      %dma_start3A_58 = tpu.memref_squeeze %dma_start3A_57 : memref<1x32xi32, #tpu.memory_space<hbm>> -> memref<32xi32, #tpu.memory_space<hbm>>
      tpu.enqueue_dma source(%dma_start3A_58 : memref<32xi32, #tpu.memory_space<hbm>>) target(%arg6 : memref<32xi32, #tpu.memory_space<vmem>>) target_semaphore(%run_scoped3A : memref<!tpu.dma_semaphore, #tpu.memory_space<semaphore_mem>>)
      %dma_wait3A_59 = arith.constant 32 : i32
      %dma_wait3A_60 = tpu.memref_slice %arg3[%add3A, %dma_wait3A_59] : memref<32x64xi32, #tpu.memory_space<hbm>> -> memref<1x32xi32, #tpu.memory_space<hbm>>
      %dma_wait3A_61 = tpu.memref_squeeze %dma_wait3A_60 : memref<1x32xi32, #tpu.memory_space<hbm>> -> memref<32xi32, #tpu.memory_space<hbm>>
      %dma_wait3A_62 = arith.constant 32 : i32
      %dma_wait3A_63 = tpu.memref_slice %arg3[%add3A, %dma_wait3A_62] : memref<32x64xi32, #tpu.memory_space<hbm>> -> memref<1x32xi32, #tpu.memory_space<hbm>>
      %dma_wait3A_64 = tpu.memref_squeeze %dma_wait3A_63 : memref<1x32xi32, #tpu.memory_space<hbm>> -> memref<32xi32, #tpu.memory_space<hbm>>
      tpu.wait_dma2 semaphore(%run_scoped3A : memref<!tpu.dma_semaphore, #tpu.memory_space<semaphore_mem>>) src(%dma_wait3A_64 : memref<32xi32, #tpu.memory_space<hbm>>) dst(%arg6 : memref<32xi32, #tpu.memory_space<vmem>>)
      tpu.yield
    }) : () -> ()
    %get3A_23 = arith.constant 0 : index
    %get3A_24 = tpu.vector_load %arg6[%get3A_23] {strides = array<i32>} : memref<32xi32, #tpu.memory_space<vmem>>, vector<16xi32>,
    %get3A_25 = vector.shape_cast %get3A_24 : vector<16xi32> to vector<16xi32>
    %mul3A_26 = arith.constant 8192 : i32
    %mul3A_27 = arith.muli %add3A, %mul3A_26 : i32
    %add3A_28 = vector.broadcast %mul3A_27 : i32 to vector<16xi32>
    %add3A_29 = arith.addi %get3A_25, %add3A_28 : vector<16xi32>
    %swap3A_30 = arith.constant 0 : index
    %swap3A_31 = tpu.vector_load %arg6[%swap3A_30] {strides = array<i32>} : memref<32xi32, #tpu.memory_space<vmem>>, vector<16xi32>,
    %swap3A_32 = vector.shape_cast %swap3A_31 : vector<16xi32> to vector<16xi32>
    %swap3A_33 = vector.shape_cast %add3A_29 : vector<16xi32> to vector<16xi32>
    tpu.vector_store %arg6[%swap3A_30], %swap3A_33 {strides = array<i32>} : memref<32xi32, #tpu.memory_space<vmem>>, vector<16xi32>,
    %get3A_34 = arith.constant 16 : index
    %get3A_35 = tpu.vector_load %arg6[%get3A_34] {strides = array<i32>} : memref<32xi32, #tpu.memory_space<vmem>>, vector<16xi32>,
    %get3A_36 = vector.shape_cast %get3A_35 : vector<16xi32> to vector<16xi32>
    %mul3A_37 = arith.constant 8192 : i32
    %mul3A_38 = arith.muli %add3A, %mul3A_37 : i32
    %add3A_39 = vector.broadcast %mul3A_38 : i32 to vector<16xi32>
    %add3A_40 = arith.addi %get3A_36, %add3A_39 : vector<16xi32>
    %swap3A_41 = arith.constant 16 : index
    %swap3A_42 = tpu.vector_load %arg6[%swap3A_41] {strides = array<i32>} : memref<32xi32, #tpu.memory_space<vmem>>, vector<16xi32>,
    %swap3A_43 = vector.shape_cast %swap3A_42 : vector<16xi32> to vector<16xi32>
    %swap3A_44 = vector.shape_cast %add3A_40 : vector<16xi32> to vector<16xi32>
    tpu.vector_store %arg6[%swap3A_41], %swap3A_44 {strides = array<i32>} : memref<32xi32, #tpu.memory_space<vmem>>, vector<16xi32>,
    %dma_start3A_45 = arith.constant 0 : i32
    %dma_start3A_46 = arith.constant 0 : i32
    %dma_start3A_47 = tpu.memref_slice %arg2[%dma_start3A_45, %dma_start3A_46] : memref<262144x128xf32, #tpu.memory_space<hbm>> -> memref<262144x128xf32, #tpu.memory_space<hbm>>
    tpu.enqueue_indirect_dma source(%dma_start3A_47 : memref<262144x128xf32, #tpu.memory_space<hbm>>) target(%arg8 : memref<32x128xf32, #tpu.memory_space<vmem>>) offsets(%arg6 : memref<32xi32, #tpu.memory_space<vmem>>) semaphore(%arg10 : memref<!tpu.dma_semaphore, #tpu.memory_space<semaphore_mem>>)
    %dma_wait3A = arith.constant 0 : i32
    %dma_wait3A_48 = arith.constant 0 : i32
    %dma_wait3A_49 = tpu.memref_slice %arg2[%dma_wait3A, %dma_wait3A_48] : memref<262144x128xf32, #tpu.memory_space<hbm>> -> memref<262144x128xf32, #tpu.memory_space<hbm>>
    tpu.wait_indirect_dma semaphore(%arg9 : memref<!tpu.dma_semaphore, #tpu.memory_space<semaphore_mem>>) src(%dma_wait3A_49 : memref<262144x128xf32, #tpu.memory_space<hbm>>) dst(%arg7 : memref<32x128xf32, #tpu.memory_space<vmem>>)
    "tpu.region"() ({
      %run_scoped3A = tpu.sem_alloc : memref<!tpu.dma_semaphore, #tpu.memory_space<semaphore_mem>>
      %dma_start3A_53 = arith.constant 0 : i32
      %dma_start3A_54 = arith.constant 0 : i32
      %dma_start3A_55 = tpu.memref_slice %arg4[%add3A, %dma_start3A_53, %dma_start3A_54] : memref<32x64x128xf32, #tpu.memory_space<hbm>> -> memref<1x32x128xf32, #tpu.memory_space<hbm>>
      %dma_start3A_56 = tpu.memref_squeeze %dma_start3A_55 : memref<1x32x128xf32, #tpu.memory_space<hbm>> -> memref<32x128xf32, #tpu.memory_space<hbm>>
      %dma_start3A_57 = arith.constant 0 : i32
      %dma_start3A_58 = arith.constant 0 : i32
      %dma_start3A_59 = tpu.memref_slice %arg4[%add3A, %dma_start3A_57, %dma_start3A_58] : memref<32x64x128xf32, #tpu.memory_space<hbm>> -> memref<1x32x128xf32, #tpu.memory_space<hbm>>
      %dma_start3A_60 = tpu.memref_squeeze %dma_start3A_59 : memref<1x32x128xf32, #tpu.memory_space<hbm>> -> memref<32x128xf32, #tpu.memory_space<hbm>>
      tpu.enqueue_dma source(%arg7 : memref<32x128xf32, #tpu.memory_space<vmem>>) target(%dma_start3A_60 : memref<32x128xf32, #tpu.memory_space<hbm>>) target_semaphore(%run_scoped3A : memref<!tpu.dma_semaphore, #tpu.memory_space<semaphore_mem>>)
      %dma_wait3A_61 = arith.constant 0 : i32
      %dma_wait3A_62 = arith.constant 0 : i32
      %dma_wait3A_63 = tpu.memref_slice %arg4[%add3A, %dma_wait3A_61, %dma_wait3A_62] : memref<32x64x128xf32, #tpu.memory_space<hbm>> -> memref<1x32x128xf32, #tpu.memory_space<hbm>>
      %dma_wait3A_64 = tpu.memref_squeeze %dma_wait3A_63 : memref<1x32x128xf32, #tpu.memory_space<hbm>> -> memref<32x128xf32, #tpu.memory_space<hbm>>
      %dma_wait3A_65 = arith.constant 0 : i32
      %dma_wait3A_66 = arith.constant 0 : i32
      %dma_wait3A_67 = tpu.memref_slice %arg4[%add3A, %dma_wait3A_65, %dma_wait3A_66] : memref<32x64x128xf32, #tpu.memory_space<hbm>> -> memref<1x32x128xf32, #tpu.memory_space<hbm>>
      %dma_wait3A_68 = tpu.memref_squeeze %dma_wait3A_67 : memref<1x32x128xf32, #tpu.memory_space<hbm>> -> memref<32x128xf32, #tpu.memory_space<hbm>>
      tpu.wait_dma2 semaphore(%run_scoped3A : memref<!tpu.dma_semaphore, #tpu.memory_space<semaphore_mem>>) src(%arg7 : memref<32x128xf32, #tpu.memory_space<vmem>>) dst(%dma_wait3A_68 : memref<32x128xf32, #tpu.memory_space<hbm>>)
      tpu.yield
    }) : () -> ()
    %dma_wait3A_50 = arith.constant 0 : i32
    %dma_wait3A_51 = arith.constant 0 : i32
    %dma_wait3A_52 = tpu.memref_slice %arg2[%dma_wait3A_50, %dma_wait3A_51] : memref<262144x128xf32, #tpu.memory_space<hbm>> -> memref<262144x128xf32, #tpu.memory_space<hbm>>
    tpu.wait_indirect_dma semaphore(%arg10 : memref<!tpu.dma_semaphore, #tpu.memory_space<semaphore_mem>>) src(%dma_wait3A_52 : memref<262144x128xf32, #tpu.memory_space<hbm>>) dst(%arg8 : memref<32x128xf32, #tpu.memory_space<vmem>>)
    "tpu.region"() ({
      %run_scoped3A = tpu.sem_alloc : memref<!tpu.dma_semaphore, #tpu.memory_space<semaphore_mem>>
      %dma_start3A_53 = arith.constant 32 : i32
      %dma_start3A_54 = arith.constant 0 : i32
      %dma_start3A_55 = tpu.memref_slice %arg4[%add3A, %dma_start3A_53, %dma_start3A_54] : memref<32x64x128xf32, #tpu.memory_space<hbm>> -> memref<1x32x128xf32, #tpu.memory_space<hbm>>
      %dma_start3A_56 = tpu.memref_squeeze %dma_start3A_55 : memref<1x32x128xf32, #tpu.memory_space<hbm>> -> memref<32x128xf32, #tpu.memory_space<hbm>>
      %dma_start3A_57 = arith.constant 32 : i32
      %dma_start3A_58 = arith.constant 0 : i32
      %dma_start3A_59 = tpu.memref_slice %arg4[%add3A, %dma_start3A_57, %dma_start3A_58] : memref<32x64x128xf32, #tpu.memory_space<hbm>> -> memref<1x32x128xf32, #tpu.memory_space<hbm>>
      %dma_start3A_60 = tpu.memref_squeeze %dma_start3A_59 : memref<1x32x128xf32, #tpu.memory_space<hbm>> -> memref<32x128xf32, #tpu.memory_space<hbm>>
      tpu.enqueue_dma source(%arg8 : memref<32x128xf32, #tpu.memory_space<vmem>>) target(%dma_start3A_60 : memref<32x128xf32, #tpu.memory_space<hbm>>) target_semaphore(%run_scoped3A : memref<!tpu.dma_semaphore, #tpu.memory_space<semaphore_mem>>)
      %dma_wait3A_61 = arith.constant 32 : i32
      %dma_wait3A_62 = arith.constant 0 : i32
      %dma_wait3A_63 = tpu.memref_slice %arg4[%add3A, %dma_wait3A_61, %dma_wait3A_62] : memref<32x64x128xf32, #tpu.memory_space<hbm>> -> memref<1x32x128xf32, #tpu.memory_space<hbm>>
      %dma_wait3A_64 = tpu.memref_squeeze %dma_wait3A_63 : memref<1x32x128xf32, #tpu.memory_space<hbm>> -> memref<32x128xf32, #tpu.memory_space<hbm>>
      %dma_wait3A_65 = arith.constant 32 : i32
      %dma_wait3A_66 = arith.constant 0 : i32
      %dma_wait3A_67 = tpu.memref_slice %arg4[%add3A, %dma_wait3A_65, %dma_wait3A_66] : memref<32x64x128xf32, #tpu.memory_space<hbm>> -> memref<1x32x128xf32, #tpu.memory_space<hbm>>
      %dma_wait3A_68 = tpu.memref_squeeze %dma_wait3A_67 : memref<1x32x128xf32, #tpu.memory_space<hbm>> -> memref<32x128xf32, #tpu.memory_space<hbm>>
      tpu.wait_dma2 semaphore(%run_scoped3A : memref<!tpu.dma_semaphore, #tpu.memory_space<semaphore_mem>>) src(%arg8 : memref<32x128xf32, #tpu.memory_space<vmem>>) dst(%dma_wait3A_68 : memref<32x128xf32, #tpu.memory_space<hbm>>)
      tpu.yield
    }) : () -> ()
    return
  }
}

module attributes {stable_mosaic.version = 14 : i64} {
  func.func @_dense_body(%arg0: i32, %arg1: memref<1x4x256x128xf32, #tpu.memory_space<vmem>>, %arg2: memref<1x4x256x1xf32, #tpu.memory_space<vmem>>, %arg3: memref<1x4x1x256xf32, #tpu.memory_space<vmem>>, %arg4: memref<1x4x256x1xf32, #tpu.memory_space<vmem>>, %arg5: memref<1x128xf32, #tpu.memory_space<vmem>>, %arg6: memref<1x1xf32, #tpu.memory_space<vmem>>, %arg7: memref<128x128xf32, #tpu.memory_space<vmem>>, %arg8: memref<1x128xf32, #tpu.memory_space<vmem>>, %arg9: memref<8x128x128xf32, #tpu.memory_space<vmem>>, %arg10: memref<1x4x256x128xf32, #tpu.memory_space<vmem>>) attributes {dimension_semantics = [#tpu.dimension_semantics<arbitrary>], iteration_bounds = array<i64: 2>, scalar_prefetch = 0 : i64, scratch_operands = 0 : i64, tpu.core_type = #tpu.core_type<tc>, window_params = [{transform_indices = @transform_0, window_bounds = array<i64: 1, 4, 256, 128>}, {transform_indices = @transform_1, window_bounds = array<i64: 1, 4, 256, 1>}, {transform_indices = @transform_2, window_bounds = array<i64: 1, 4, 1, 256>}, {transform_indices = @transform_3, window_bounds = array<i64: 1, 4, 256, 1>}, {pipeline_mode = #tpu.pipeline_mode<synchronous>, transform_indices = @transform_4, window_bounds = array<i64: 1, 128>}, {pipeline_mode = #tpu.pipeline_mode<synchronous>, transform_indices = @transform_5, window_bounds = array<i64: 1, 1>}, {pipeline_mode = #tpu.pipeline_mode<synchronous>, transform_indices = @transform_6, window_bounds = array<i64: 128, 128>}, {pipeline_mode = #tpu.pipeline_mode<synchronous>, transform_indices = @transform_7, window_bounds = array<i64: 1, 128>}, {pipeline_mode = #tpu.pipeline_mode<synchronous>, transform_indices = @transform_8, window_bounds = array<i64: 8, 128, 128>}, {transform_indices = @transform_9, window_bounds = array<i64: 1, 4, 256, 128>}]} {
    %iota3A = tpu.iota {dimensions = array<i32: 0>} : vector<256x256xi32>
    %iota3A_0 = tpu.iota {dimensions = array<i32: 1>} : vector<256x256xi32>
    %ne3A = arith.cmpi ne, %iota3A, %iota3A_0 : vector<256x256xi32>
    %shift_right_arithmetic3A = arith.constant 6 : i32
    %shift_right_arithmetic3A_1 = vector.broadcast %shift_right_arithmetic3A : i32 to vector<256x256xi32>
    %shift_right_arithmetic3A_2 = arith.shrsi %iota3A, %shift_right_arithmetic3A_1 : vector<256x256xi32>
    %shift_right_arithmetic3A_3 = arith.constant 6 : i32
    %shift_right_arithmetic3A_4 = vector.broadcast %shift_right_arithmetic3A_3 : i32 to vector<256x256xi32>
    %shift_right_arithmetic3A_5 = arith.shrsi %iota3A_0, %shift_right_arithmetic3A_4 : vector<256x256xi32>
    %eq3A = arith.cmpi eq, %shift_right_arithmetic3A_2, %shift_right_arithmetic3A_5 : vector<256x256xi32>
    %and3A = arith.andi %ne3A, %eq3A : vector<256x256xi1>
    %jit3A = arith.constant 1.000000e+00 : f32
    %jit3A_6 = arith.constant 0.000000e+00 : f32
    %broadcast_in_dim3A = vector.broadcast %jit3A : f32 to vector<256x256xf32>
    %broadcast_in_dim3A_7 = vector.broadcast %jit3A_6 : f32 to vector<256x256xf32>
    %select_n3A = arith.select %and3A, %broadcast_in_dim3A, %broadcast_in_dim3A_7 : vector<256x256xi1>, vector<256x256xf32>
    %get3A = arith.constant 0 : index
    %get3A_8 = arith.constant 0 : index
    %get3A_9 = vector.load %arg5[%get3A, %get3A_8] : memref<1x128xf32, #tpu.memory_space<vmem>>, vector<1x128xf32>
    %get3A_10 = arith.constant 0 : index
    %get3A_11 = arith.constant 0 : index
    %get3A_12 = vector.load %arg8[%get3A_10, %get3A_11] : memref<1x128xf32, #tpu.memory_space<vmem>>, vector<1x128xf32>
    %get3A_13 = arith.constant 0 : index
    %get3A_14 = arith.constant 0 : index
    %get3A_15 = vector.load %arg6[%get3A_13, %get3A_14] : memref<1x1xf32, #tpu.memory_space<vmem>>, vector<1x1xf32>
    %get3A_16 = arith.constant 0 : index
    %get3A_17 = arith.constant 0 : index
    %get3A_18 = arith.constant 0 : index
    %get3A_19 = arith.constant 0 : index
    %get3A_20 = vector.load %arg1[%get3A_16, %get3A_17, %get3A_18, %get3A_19] : memref<1x4x256x128xf32, #tpu.memory_space<vmem>>, vector<1x1x256x128xf32>
    %get3A_21 = vector.shape_cast %get3A_20 : vector<1x1x256x128xf32> to vector<256x128xf32>
    %get3A_22 = arith.constant 0 : index
    %get3A_23 = arith.constant 0 : index
    %get3A_24 = arith.constant 0 : index
    %get3A_25 = arith.constant 0 : index
    %get3A_26 = vector.load %arg3[%get3A_22, %get3A_23, %get3A_24, %get3A_25] : memref<1x4x1x256xf32, #tpu.memory_space<vmem>>, vector<1x1x1x256xf32>
    %get3A_27 = vector.shape_cast %get3A_26 : vector<1x1x1x256xf32> to vector<1x256xf32>
    %get3A_28 = arith.constant 0 : index
    %get3A_29 = arith.constant 0 : index
    %get3A_30 = arith.constant 0 : index
    %get3A_31 = arith.constant 0 : index
    %get3A_32 = vector.load %arg2[%get3A_28, %get3A_29, %get3A_30, %get3A_31] : memref<1x4x256x1xf32, #tpu.memory_space<vmem>>, vector<1x1x256x1xf32>
    %get3A_33 = vector.shape_cast %get3A_32 : vector<1x1x256x1xf32> to vector<256x1xf32>
    %get3A_34 = arith.constant 0 : index
    %get3A_35 = arith.constant 0 : index
    %get3A_36 = arith.constant 0 : index
    %get3A_37 = arith.constant 0 : index
    %get3A_38 = vector.load %arg4[%get3A_34, %get3A_35, %get3A_36, %get3A_37] : memref<1x4x256x1xf32, #tpu.memory_space<vmem>>, vector<1x1x256x1xf32>
    %get3A_39 = vector.shape_cast %get3A_38 : vector<1x1x256x1xf32> to vector<256x1xf32>
    %mul3A = vector.broadcast %get3A_9 : vector<1x128xf32> to vector<256x128xf32>
    %mul3A_40 = arith.mulf %get3A_21, %mul3A : vector<256x128xf32>
    %reduce_sum3A = arith.constant dense<0.000000e+00> : vector<256xf32>
    %reduce_sum3A_41 = vector.multi_reduction <add>, %mul3A_40, %reduce_sum3A [1] : vector<256x128xf32> to vector<256xf32>
    %broadcast_in_dim3A_42 = vector.shape_cast %reduce_sum3A_41 : vector<256xf32> to vector<256x1xf32>
    %add3A = vector.broadcast %get3A_15 : vector<1x1xf32> to vector<256x1xf32>
    %add3A_43 = arith.addf %broadcast_in_dim3A_42, %add3A : vector<256x1xf32>
    %neg3A = arith.constant 0.000000e+00 : f32
    %neg3A_44 = vector.broadcast %neg3A : f32 to vector<256x1xf32>
    %neg3A_45 = arith.subf %neg3A_44, %add3A_43 : vector<256x1xf32>
    %exp3A = math.exp %neg3A_45 : vector<256x1xf32>
    %add3A_46 = arith.constant 1.000000e+00 : f32
    %add3A_47 = vector.broadcast %add3A_46 : f32 to vector<256x1xf32>
    %add3A_48 = arith.addf %add3A_47, %exp3A : vector<256x1xf32>
    %div3A = arith.constant 0.0158730168 : f32
    %div3A_49 = vector.broadcast %div3A : f32 to vector<256x1xf32>
    %div3A_50 = arith.divf %div3A_49, %add3A_48 : vector<256x1xf32>
    %mul3A_51 = vector.broadcast %div3A_50 : vector<256x1xf32> to vector<256x128xf32>
    %mul3A_52 = arith.mulf %get3A_21, %mul3A_51 : vector<256x128xf32>
    %gt3A = arith.constant 5.000000e-01 : f32
    %gt3A_53 = vector.broadcast %gt3A : f32 to vector<256x1xf32>
    %gt3A_54 = arith.cmpf ogt, %get3A_39, %gt3A_53 : vector<256x1xf32>
    %jit3A_55 = arith.constant 0.000000e+00 : f32
    %broadcast_in_dim3A_56 = vector.shape_cast %gt3A_54 : vector<256x1xi1> to vector<256x1xi1>
    %broadcast_in_dim3A_57 = vector.broadcast %broadcast_in_dim3A_56 : vector<256x1xi1> to vector<256x128xi1>
    %broadcast_in_dim3A_58 = vector.broadcast %jit3A_55 : f32 to vector<256x128xf32>
    %select_n3A_59 = arith.select %broadcast_in_dim3A_57, %mul3A_52, %broadcast_in_dim3A_58 : vector<256x128xi1>, vector<256x128xf32>
    %sub3A = arith.subf %mul3A_52, %select_n3A_59 : vector<256x128xf32>
    %gt3A_60 = vector.broadcast %get3A_33 : vector<256x1xf32> to vector<256x256xf32>
    %gt3A_61 = vector.broadcast %get3A_27 : vector<1x256xf32> to vector<256x256xf32>
    %gt3A_62 = arith.cmpf ogt, %gt3A_60, %gt3A_61 : vector<256x256xf32>
    %jit3A_63 = arith.constant 0.000000e+00 : f32
    %broadcast_in_dim3A_64 = vector.broadcast %jit3A_63 : f32 to vector<256x256xf32>
    %select_n3A_65 = arith.select %gt3A_62, %select_n3A, %broadcast_in_dim3A_64 : vector<256x256xi1>, vector<256x256xf32>
    %dot_general3A = arith.constant dense<0.000000e+00> : vector<256x128xf32>
    %dot_general3A_66 = tpu.matmul %select_n3A_65, %sub3A, %dot_general3A {dimension_numbers = #tpu.dot_dimension_numbers<[1], [0], [0], [1], [0, 0, 1, 1], [], []>, transpose_lhs_hint = false} : vector<256x256xf32>, vector<256x128xf32>, vector<256x128xf32> -> vector<256x128xf32>
    %dot_general3A_67 = arith.constant dense<0.000000e+00> : vector<256x128xf32>
    %dot_general3A_68 = tpu.matmul %select_n3A_65, %select_n3A_59, %dot_general3A_67 {dimension_numbers = #tpu.dot_dimension_numbers<[1], [0], [0], [1], [0, 0, 1, 1], [], []>, transpose_lhs_hint = false} : vector<256x256xf32>, vector<256x128xf32>, vector<256x128xf32> -> vector<256x128xf32>
    %reshape3A = vector.shape_cast %sub3A : vector<256x128xf32> to vector<4x64x128xf32>
    %reduce_sum3A_69 = arith.constant dense<0.000000e+00> : vector<4x128xf32>
    %reduce_sum3A_70 = vector.multi_reduction <add>, %reshape3A, %reduce_sum3A_69 [1] : vector<4x64x128xf32> to vector<4x128xf32>
    %broadcast_in_dim3A_71 = vector.shape_cast %reduce_sum3A_70 : vector<4x128xf32> to vector<4x1x128xf32>
    %reshape3A_72 = vector.shape_cast %select_n3A_59 : vector<256x128xf32> to vector<4x64x128xf32>
    %reduce_sum3A_73 = arith.constant dense<0.000000e+00> : vector<4x128xf32>
    %reduce_sum3A_74 = vector.multi_reduction <add>, %reshape3A_72, %reduce_sum3A_73 [1] : vector<4x64x128xf32> to vector<4x128xf32>
    %broadcast_in_dim3A_75 = vector.shape_cast %reduce_sum3A_74 : vector<4x128xf32> to vector<4x1x128xf32>
    %broadcast_in_dim3A_76 = vector.shape_cast %broadcast_in_dim3A_71 : vector<4x1x128xf32> to vector<4x1x128xf32>
    %broadcast_in_dim3A_77 = vector.broadcast %broadcast_in_dim3A_76 : vector<4x1x128xf32> to vector<4x64x128xf32>
    %reshape3A_78 = vector.shape_cast %broadcast_in_dim3A_77 : vector<4x64x128xf32> to vector<256x128xf32>
    %broadcast_in_dim3A_79 = vector.shape_cast %broadcast_in_dim3A_75 : vector<4x1x128xf32> to vector<4x1x128xf32>
    %broadcast_in_dim3A_80 = vector.broadcast %broadcast_in_dim3A_79 : vector<4x1x128xf32> to vector<4x64x128xf32>
    %reshape3A_81 = vector.shape_cast %broadcast_in_dim3A_80 : vector<4x64x128xf32> to vector<256x128xf32>
    %sub3A_82 = arith.subf %reshape3A_78, %sub3A : vector<256x128xf32>
    %sub3A_83 = arith.subf %sub3A_82, %dot_general3A_66 : vector<256x128xf32>
    %sub3A_84 = arith.subf %reshape3A_81, %select_n3A_59 : vector<256x128xf32>
    %sub3A_85 = arith.subf %sub3A_84, %dot_general3A_68 : vector<256x128xf32>
    %get3A_86 = arith.constant 4 : index
    %get3A_87 = arith.constant 0 : index
    %get3A_88 = arith.constant 0 : index
    %get3A_89 = vector.load %arg9[%get3A_86, %get3A_87, %get3A_88] : memref<8x128x128xf32, #tpu.memory_space<vmem>>, vector<1x128x128xf32>
    %get3A_90 = vector.shape_cast %get3A_89 : vector<1x128x128xf32> to vector<128x128xf32>
    %dot_general3A_91 = arith.constant dense<0.000000e+00> : vector<256x128xf32>
    %dot_general3A_92 = tpu.matmul %dot_general3A_66, %get3A_90, %dot_general3A_91 {dimension_numbers = #tpu.dot_dimension_numbers<[1], [1], [0], [0], [0, 0, 1, 0], [], []>, transpose_lhs_hint = false} : vector<256x128xf32>, vector<128x128xf32>, vector<256x128xf32> -> vector<256x128xf32>
    %get3A_93 = arith.constant 5 : index
    %get3A_94 = arith.constant 0 : index
    %get3A_95 = arith.constant 0 : index
    %get3A_96 = vector.load %arg9[%get3A_93, %get3A_94, %get3A_95] : memref<8x128x128xf32, #tpu.memory_space<vmem>>, vector<1x128x128xf32>
    %get3A_97 = vector.shape_cast %get3A_96 : vector<1x128x128xf32> to vector<128x128xf32>
    %dot_general3A_98 = arith.constant dense<0.000000e+00> : vector<256x128xf32>
    %dot_general3A_99 = tpu.matmul %dot_general3A_68, %get3A_97, %dot_general3A_98 {dimension_numbers = #tpu.dot_dimension_numbers<[1], [1], [0], [0], [0, 0, 1, 0], [], []>, transpose_lhs_hint = false} : vector<256x128xf32>, vector<128x128xf32>, vector<256x128xf32> -> vector<256x128xf32>
    %add3A_100 = arith.addf %dot_general3A_92, %dot_general3A_99 : vector<256x128xf32>
    %get3A_101 = arith.constant 0 : index
    %get3A_102 = arith.constant 0 : index
    %get3A_103 = arith.constant 0 : index
    %get3A_104 = vector.load %arg9[%get3A_101, %get3A_102, %get3A_103] : memref<8x128x128xf32, #tpu.memory_space<vmem>>, vector<1x128x128xf32>
    %get3A_105 = vector.shape_cast %get3A_104 : vector<1x128x128xf32> to vector<128x128xf32>
    %dot_general3A_106 = arith.constant dense<0.000000e+00> : vector<256x128xf32>
    %dot_general3A_107 = tpu.matmul %sub3A_83, %get3A_105, %dot_general3A_106 {dimension_numbers = #tpu.dot_dimension_numbers<[1], [1], [0], [0], [0, 0, 1, 0], [], []>, transpose_lhs_hint = false} : vector<256x128xf32>, vector<128x128xf32>, vector<256x128xf32> -> vector<256x128xf32>
    %add3A_108 = arith.addf %add3A_100, %dot_general3A_107 : vector<256x128xf32>
    %get3A_109 = arith.constant 1 : index
    %get3A_110 = arith.constant 0 : index
    %get3A_111 = arith.constant 0 : index
    %get3A_112 = vector.load %arg9[%get3A_109, %get3A_110, %get3A_111] : memref<8x128x128xf32, #tpu.memory_space<vmem>>, vector<1x128x128xf32>
    %get3A_113 = vector.shape_cast %get3A_112 : vector<1x128x128xf32> to vector<128x128xf32>
    %dot_general3A_114 = arith.constant dense<0.000000e+00> : vector<256x128xf32>
    %dot_general3A_115 = tpu.matmul %sub3A_85, %get3A_113, %dot_general3A_114 {dimension_numbers = #tpu.dot_dimension_numbers<[1], [1], [0], [0], [0, 0, 1, 0], [], []>, transpose_lhs_hint = false} : vector<256x128xf32>, vector<128x128xf32>, vector<256x128xf32> -> vector<256x128xf32>
    %add3A_116 = arith.addf %add3A_108, %dot_general3A_115 : vector<256x128xf32>
    %get3A_117 = arith.constant 6 : index
    %get3A_118 = arith.constant 0 : index
    %get3A_119 = arith.constant 0 : index
    %get3A_120 = vector.load %arg9[%get3A_117, %get3A_118, %get3A_119] : memref<8x128x128xf32, #tpu.memory_space<vmem>>, vector<1x128x128xf32>
    %get3A_121 = vector.shape_cast %get3A_120 : vector<1x128x128xf32> to vector<128x128xf32>
    %dot_general3A_122 = arith.constant dense<0.000000e+00> : vector<256x128xf32>
    %dot_general3A_123 = tpu.matmul %dot_general3A_66, %get3A_121, %dot_general3A_122 {dimension_numbers = #tpu.dot_dimension_numbers<[1], [1], [0], [0], [0, 0, 1, 0], [], []>, transpose_lhs_hint = false} : vector<256x128xf32>, vector<128x128xf32>, vector<256x128xf32> -> vector<256x128xf32>
    %get3A_124 = arith.constant 7 : index
    %get3A_125 = arith.constant 0 : index
    %get3A_126 = arith.constant 0 : index
    %get3A_127 = vector.load %arg9[%get3A_124, %get3A_125, %get3A_126] : memref<8x128x128xf32, #tpu.memory_space<vmem>>, vector<1x128x128xf32>
    %get3A_128 = vector.shape_cast %get3A_127 : vector<1x128x128xf32> to vector<128x128xf32>
    %dot_general3A_129 = arith.constant dense<0.000000e+00> : vector<256x128xf32>
    %dot_general3A_130 = tpu.matmul %dot_general3A_68, %get3A_128, %dot_general3A_129 {dimension_numbers = #tpu.dot_dimension_numbers<[1], [1], [0], [0], [0, 0, 1, 0], [], []>, transpose_lhs_hint = false} : vector<256x128xf32>, vector<128x128xf32>, vector<256x128xf32> -> vector<256x128xf32>
    %add3A_131 = arith.addf %dot_general3A_123, %dot_general3A_130 : vector<256x128xf32>
    %get3A_132 = arith.constant 2 : index
    %get3A_133 = arith.constant 0 : index
    %get3A_134 = arith.constant 0 : index
    %get3A_135 = vector.load %arg9[%get3A_132, %get3A_133, %get3A_134] : memref<8x128x128xf32, #tpu.memory_space<vmem>>, vector<1x128x128xf32>
    %get3A_136 = vector.shape_cast %get3A_135 : vector<1x128x128xf32> to vector<128x128xf32>
    %dot_general3A_137 = arith.constant dense<0.000000e+00> : vector<256x128xf32>
    %dot_general3A_138 = tpu.matmul %sub3A_83, %get3A_136, %dot_general3A_137 {dimension_numbers = #tpu.dot_dimension_numbers<[1], [1], [0], [0], [0, 0, 1, 0], [], []>, transpose_lhs_hint = false} : vector<256x128xf32>, vector<128x128xf32>, vector<256x128xf32> -> vector<256x128xf32>
    %add3A_139 = arith.addf %add3A_131, %dot_general3A_138 : vector<256x128xf32>
    %get3A_140 = arith.constant 3 : index
    %get3A_141 = arith.constant 0 : index
    %get3A_142 = arith.constant 0 : index
    %get3A_143 = vector.load %arg9[%get3A_140, %get3A_141, %get3A_142] : memref<8x128x128xf32, #tpu.memory_space<vmem>>, vector<1x128x128xf32>
    %get3A_144 = vector.shape_cast %get3A_143 : vector<1x128x128xf32> to vector<128x128xf32>
    %dot_general3A_145 = arith.constant dense<0.000000e+00> : vector<256x128xf32>
    %dot_general3A_146 = tpu.matmul %sub3A_85, %get3A_144, %dot_general3A_145 {dimension_numbers = #tpu.dot_dimension_numbers<[1], [1], [0], [0], [0, 0, 1, 0], [], []>, transpose_lhs_hint = false} : vector<256x128xf32>, vector<128x128xf32>, vector<256x128xf32> -> vector<256x128xf32>
    %add3A_147 = arith.addf %add3A_139, %dot_general3A_146 : vector<256x128xf32>
    %gt3A_148 = arith.constant 5.000000e-01 : f32
    %gt3A_149 = vector.broadcast %gt3A_148 : f32 to vector<256x1xf32>
    %gt3A_150 = arith.cmpf ogt, %get3A_39, %gt3A_149 : vector<256x1xf32>
    %broadcast_in_dim3A_151 = vector.shape_cast %gt3A_150 : vector<256x1xi1> to vector<256x1xi1>
    %broadcast_in_dim3A_152 = vector.broadcast %broadcast_in_dim3A_151 : vector<256x1xi1> to vector<256x128xi1>
    %select_n3A_153 = arith.select %broadcast_in_dim3A_152, %add3A_147, %add3A_116 : vector<256x128xi1>, vector<256x128xf32>
    %get3A_154 = arith.constant 0 : index
    %get3A_155 = arith.constant 0 : index
    %get3A_156 = vector.load %arg7[%get3A_154, %get3A_155] : memref<128x128xf32, #tpu.memory_space<vmem>>, vector<128x128xf32>
    %dot_general3A_157 = arith.constant dense<0.000000e+00> : vector<256x128xf32>
    %dot_general3A_158 = tpu.matmul %get3A_21, %get3A_156, %dot_general3A_157 {dimension_numbers = #tpu.dot_dimension_numbers<[1], [1], [0], [0], [0, 0, 1, 0], [], []>, transpose_lhs_hint = false} : vector<256x128xf32>, vector<128x128xf32>, vector<256x128xf32> -> vector<256x128xf32>
    %add3A_159 = vector.broadcast %get3A_12 : vector<1x128xf32> to vector<256x128xf32>
    %add3A_160 = arith.addf %dot_general3A_158, %add3A_159 : vector<256x128xf32>
    %add3A_161 = arith.addf %add3A_160, %select_n3A_153 : vector<256x128xf32>
    %max3A = arith.constant 0.000000e+00 : f32
    %max3A_162 = vector.broadcast %max3A : f32 to vector<256x128xf32>
    %max3A_163 = arith.maximumf %add3A_161, %max3A_162 : vector<256x128xf32>
    %swap3A = arith.constant 0 : index
    %swap3A_164 = arith.constant 0 : index
    %swap3A_165 = arith.constant 0 : index
    %swap3A_166 = arith.constant 0 : index
    %swap3A_167 = vector.load %arg10[%swap3A, %swap3A_164, %swap3A_165, %swap3A_166] : memref<1x4x256x128xf32, #tpu.memory_space<vmem>>, vector<1x1x256x128xf32>
    %swap3A_168 = vector.shape_cast %swap3A_167 : vector<1x1x256x128xf32> to vector<256x128xf32>
    %swap3A_169 = vector.shape_cast %max3A_163 : vector<256x128xf32> to vector<1x1x256x128xf32>
    tpu.vector_store %arg10[%swap3A, %swap3A_164, %swap3A_165, %swap3A_166], %swap3A_169 {strides = array<i32>} : memref<1x4x256x128xf32, #tpu.memory_space<vmem>>, vector<1x1x256x128xf32>,
    %get3A_170 = arith.constant 0 : index
    %get3A_171 = arith.constant 1 : index
    %get3A_172 = arith.constant 0 : index
    %get3A_173 = arith.constant 0 : index
    %get3A_174 = vector.load %arg1[%get3A_170, %get3A_171, %get3A_172, %get3A_173] : memref<1x4x256x128xf32, #tpu.memory_space<vmem>>, vector<1x1x256x128xf32>
    %get3A_175 = vector.shape_cast %get3A_174 : vector<1x1x256x128xf32> to vector<256x128xf32>
    %get3A_176 = arith.constant 0 : index
    %get3A_177 = arith.constant 1 : index
    %get3A_178 = arith.constant 0 : index
    %get3A_179 = arith.constant 0 : index
    %get3A_180 = vector.load %arg3[%get3A_176, %get3A_177, %get3A_178, %get3A_179] : memref<1x4x1x256xf32, #tpu.memory_space<vmem>>, vector<1x1x1x256xf32>
    %get3A_181 = vector.shape_cast %get3A_180 : vector<1x1x1x256xf32> to vector<1x256xf32>
    %get3A_182 = arith.constant 0 : index
    %get3A_183 = arith.constant 1 : index
    %get3A_184 = arith.constant 0 : index
    %get3A_185 = arith.constant 0 : index
    %get3A_186 = vector.load %arg2[%get3A_182, %get3A_183, %get3A_184, %get3A_185] : memref<1x4x256x1xf32, #tpu.memory_space<vmem>>, vector<1x1x256x1xf32>
    %get3A_187 = vector.shape_cast %get3A_186 : vector<1x1x256x1xf32> to vector<256x1xf32>
    %get3A_188 = arith.constant 0 : index
    %get3A_189 = arith.constant 1 : index
    %get3A_190 = arith.constant 0 : index
    %get3A_191 = arith.constant 0 : index
    %get3A_192 = vector.load %arg4[%get3A_188, %get3A_189, %get3A_190, %get3A_191] : memref<1x4x256x1xf32, #tpu.memory_space<vmem>>, vector<1x1x256x1xf32>
    %get3A_193 = vector.shape_cast %get3A_192 : vector<1x1x256x1xf32> to vector<256x1xf32>
    %mul3A_194 = vector.broadcast %get3A_9 : vector<1x128xf32> to vector<256x128xf32>
    %mul3A_195 = arith.mulf %get3A_175, %mul3A_194 : vector<256x128xf32>
    %reduce_sum3A_196 = arith.constant dense<0.000000e+00> : vector<256xf32>
    %reduce_sum3A_197 = vector.multi_reduction <add>, %mul3A_195, %reduce_sum3A_196 [1] : vector<256x128xf32> to vector<256xf32>
    %broadcast_in_dim3A_198 = vector.shape_cast %reduce_sum3A_197 : vector<256xf32> to vector<256x1xf32>
    %add3A_199 = vector.broadcast %get3A_15 : vector<1x1xf32> to vector<256x1xf32>
    %add3A_200 = arith.addf %broadcast_in_dim3A_198, %add3A_199 : vector<256x1xf32>
    %neg3A_201 = arith.constant 0.000000e+00 : f32
    %neg3A_202 = vector.broadcast %neg3A_201 : f32 to vector<256x1xf32>
    %neg3A_203 = arith.subf %neg3A_202, %add3A_200 : vector<256x1xf32>
    %exp3A_204 = math.exp %neg3A_203 : vector<256x1xf32>
    %add3A_205 = arith.constant 1.000000e+00 : f32
    %add3A_206 = vector.broadcast %add3A_205 : f32 to vector<256x1xf32>
    %add3A_207 = arith.addf %add3A_206, %exp3A_204 : vector<256x1xf32>
    %div3A_208 = arith.constant 0.0158730168 : f32
    %div3A_209 = vector.broadcast %div3A_208 : f32 to vector<256x1xf32>
    %div3A_210 = arith.divf %div3A_209, %add3A_207 : vector<256x1xf32>
    %mul3A_211 = vector.broadcast %div3A_210 : vector<256x1xf32> to vector<256x128xf32>
    %mul3A_212 = arith.mulf %get3A_175, %mul3A_211 : vector<256x128xf32>
    %gt3A_213 = arith.constant 5.000000e-01 : f32
    %gt3A_214 = vector.broadcast %gt3A_213 : f32 to vector<256x1xf32>
    %gt3A_215 = arith.cmpf ogt, %get3A_193, %gt3A_214 : vector<256x1xf32>
    %jit3A_216 = arith.constant 0.000000e+00 : f32
    %broadcast_in_dim3A_217 = vector.shape_cast %gt3A_215 : vector<256x1xi1> to vector<256x1xi1>
    %broadcast_in_dim3A_218 = vector.broadcast %broadcast_in_dim3A_217 : vector<256x1xi1> to vector<256x128xi1>
    %broadcast_in_dim3A_219 = vector.broadcast %jit3A_216 : f32 to vector<256x128xf32>
    %select_n3A_220 = arith.select %broadcast_in_dim3A_218, %mul3A_212, %broadcast_in_dim3A_219 : vector<256x128xi1>, vector<256x128xf32>
    %sub3A_221 = arith.subf %mul3A_212, %select_n3A_220 : vector<256x128xf32>
    %gt3A_222 = vector.broadcast %get3A_187 : vector<256x1xf32> to vector<256x256xf32>
    %gt3A_223 = vector.broadcast %get3A_181 : vector<1x256xf32> to vector<256x256xf32>
    %gt3A_224 = arith.cmpf ogt, %gt3A_222, %gt3A_223 : vector<256x256xf32>
    %jit3A_225 = arith.constant 0.000000e+00 : f32
    %broadcast_in_dim3A_226 = vector.broadcast %jit3A_225 : f32 to vector<256x256xf32>
    %select_n3A_227 = arith.select %gt3A_224, %select_n3A, %broadcast_in_dim3A_226 : vector<256x256xi1>, vector<256x256xf32>
    %dot_general3A_228 = arith.constant dense<0.000000e+00> : vector<256x128xf32>
    %dot_general3A_229 = tpu.matmul %select_n3A_227, %sub3A_221, %dot_general3A_228 {dimension_numbers = #tpu.dot_dimension_numbers<[1], [0], [0], [1], [0, 0, 1, 1], [], []>, transpose_lhs_hint = false} : vector<256x256xf32>, vector<256x128xf32>, vector<256x128xf32> -> vector<256x128xf32>
    %dot_general3A_230 = arith.constant dense<0.000000e+00> : vector<256x128xf32>
    %dot_general3A_231 = tpu.matmul %select_n3A_227, %select_n3A_220, %dot_general3A_230 {dimension_numbers = #tpu.dot_dimension_numbers<[1], [0], [0], [1], [0, 0, 1, 1], [], []>, transpose_lhs_hint = false} : vector<256x256xf32>, vector<256x128xf32>, vector<256x128xf32> -> vector<256x128xf32>
    %reshape3A_232 = vector.shape_cast %sub3A_221 : vector<256x128xf32> to vector<4x64x128xf32>
    %reduce_sum3A_233 = arith.constant dense<0.000000e+00> : vector<4x128xf32>
    %reduce_sum3A_234 = vector.multi_reduction <add>, %reshape3A_232, %reduce_sum3A_233 [1] : vector<4x64x128xf32> to vector<4x128xf32>
    %broadcast_in_dim3A_235 = vector.shape_cast %reduce_sum3A_234 : vector<4x128xf32> to vector<4x1x128xf32>
    %reshape3A_236 = vector.shape_cast %select_n3A_220 : vector<256x128xf32> to vector<4x64x128xf32>
    %reduce_sum3A_237 = arith.constant dense<0.000000e+00> : vector<4x128xf32>
    %reduce_sum3A_238 = vector.multi_reduction <add>, %reshape3A_236, %reduce_sum3A_237 [1] : vector<4x64x128xf32> to vector<4x128xf32>
    %broadcast_in_dim3A_239 = vector.shape_cast %reduce_sum3A_238 : vector<4x128xf32> to vector<4x1x128xf32>
    %broadcast_in_dim3A_240 = vector.shape_cast %broadcast_in_dim3A_235 : vector<4x1x128xf32> to vector<4x1x128xf32>
    %broadcast_in_dim3A_241 = vector.broadcast %broadcast_in_dim3A_240 : vector<4x1x128xf32> to vector<4x64x128xf32>
    %reshape3A_242 = vector.shape_cast %broadcast_in_dim3A_241 : vector<4x64x128xf32> to vector<256x128xf32>
    %broadcast_in_dim3A_243 = vector.shape_cast %broadcast_in_dim3A_239 : vector<4x1x128xf32> to vector<4x1x128xf32>
    %broadcast_in_dim3A_244 = vector.broadcast %broadcast_in_dim3A_243 : vector<4x1x128xf32> to vector<4x64x128xf32>
    %reshape3A_245 = vector.shape_cast %broadcast_in_dim3A_244 : vector<4x64x128xf32> to vector<256x128xf32>
    %sub3A_246 = arith.subf %reshape3A_242, %sub3A_221 : vector<256x128xf32>
    %sub3A_247 = arith.subf %sub3A_246, %dot_general3A_229 : vector<256x128xf32>
    %sub3A_248 = arith.subf %reshape3A_245, %select_n3A_220 : vector<256x128xf32>
    %sub3A_249 = arith.subf %sub3A_248, %dot_general3A_231 : vector<256x128xf32>
    %get3A_250 = arith.constant 4 : index
    %get3A_251 = arith.constant 0 : index
    %get3A_252 = arith.constant 0 : index
    %get3A_253 = vector.load %arg9[%get3A_250, %get3A_251, %get3A_252] : memref<8x128x128xf32, #tpu.memory_space<vmem>>, vector<1x128x128xf32>
    %get3A_254 = vector.shape_cast %get3A_253 : vector<1x128x128xf32> to vector<128x128xf32>
    %dot_general3A_255 = arith.constant dense<0.000000e+00> : vector<256x128xf32>
    %dot_general3A_256 = tpu.matmul %dot_general3A_229, %get3A_254, %dot_general3A_255 {dimension_numbers = #tpu.dot_dimension_numbers<[1], [1], [0], [0], [0, 0, 1, 0], [], []>, transpose_lhs_hint = false} : vector<256x128xf32>, vector<128x128xf32>, vector<256x128xf32> -> vector<256x128xf32>
    %get3A_257 = arith.constant 5 : index
    %get3A_258 = arith.constant 0 : index
    %get3A_259 = arith.constant 0 : index
    %get3A_260 = vector.load %arg9[%get3A_257, %get3A_258, %get3A_259] : memref<8x128x128xf32, #tpu.memory_space<vmem>>, vector<1x128x128xf32>
    %get3A_261 = vector.shape_cast %get3A_260 : vector<1x128x128xf32> to vector<128x128xf32>
    %dot_general3A_262 = arith.constant dense<0.000000e+00> : vector<256x128xf32>
    %dot_general3A_263 = tpu.matmul %dot_general3A_231, %get3A_261, %dot_general3A_262 {dimension_numbers = #tpu.dot_dimension_numbers<[1], [1], [0], [0], [0, 0, 1, 0], [], []>, transpose_lhs_hint = false} : vector<256x128xf32>, vector<128x128xf32>, vector<256x128xf32> -> vector<256x128xf32>
    %add3A_264 = arith.addf %dot_general3A_256, %dot_general3A_263 : vector<256x128xf32>
    %get3A_265 = arith.constant 0 : index
    %get3A_266 = arith.constant 0 : index
    %get3A_267 = arith.constant 0 : index
    %get3A_268 = vector.load %arg9[%get3A_265, %get3A_266, %get3A_267] : memref<8x128x128xf32, #tpu.memory_space<vmem>>, vector<1x128x128xf32>
    %get3A_269 = vector.shape_cast %get3A_268 : vector<1x128x128xf32> to vector<128x128xf32>
    %dot_general3A_270 = arith.constant dense<0.000000e+00> : vector<256x128xf32>
    %dot_general3A_271 = tpu.matmul %sub3A_247, %get3A_269, %dot_general3A_270 {dimension_numbers = #tpu.dot_dimension_numbers<[1], [1], [0], [0], [0, 0, 1, 0], [], []>, transpose_lhs_hint = false} : vector<256x128xf32>, vector<128x128xf32>, vector<256x128xf32> -> vector<256x128xf32>
    %add3A_272 = arith.addf %add3A_264, %dot_general3A_271 : vector<256x128xf32>
    %get3A_273 = arith.constant 1 : index
    %get3A_274 = arith.constant 0 : index
    %get3A_275 = arith.constant 0 : index
    %get3A_276 = vector.load %arg9[%get3A_273, %get3A_274, %get3A_275] : memref<8x128x128xf32, #tpu.memory_space<vmem>>, vector<1x128x128xf32>
    %get3A_277 = vector.shape_cast %get3A_276 : vector<1x128x128xf32> to vector<128x128xf32>
    %dot_general3A_278 = arith.constant dense<0.000000e+00> : vector<256x128xf32>
    %dot_general3A_279 = tpu.matmul %sub3A_249, %get3A_277, %dot_general3A_278 {dimension_numbers = #tpu.dot_dimension_numbers<[1], [1], [0], [0], [0, 0, 1, 0], [], []>, transpose_lhs_hint = false} : vector<256x128xf32>, vector<128x128xf32>, vector<256x128xf32> -> vector<256x128xf32>
    %add3A_280 = arith.addf %add3A_272, %dot_general3A_279 : vector<256x128xf32>
    %get3A_281 = arith.constant 6 : index
    %get3A_282 = arith.constant 0 : index
    %get3A_283 = arith.constant 0 : index
    %get3A_284 = vector.load %arg9[%get3A_281, %get3A_282, %get3A_283] : memref<8x128x128xf32, #tpu.memory_space<vmem>>, vector<1x128x128xf32>
    %get3A_285 = vector.shape_cast %get3A_284 : vector<1x128x128xf32> to vector<128x128xf32>
    %dot_general3A_286 = arith.constant dense<0.000000e+00> : vector<256x128xf32>
    %dot_general3A_287 = tpu.matmul %dot_general3A_229, %get3A_285, %dot_general3A_286 {dimension_numbers = #tpu.dot_dimension_numbers<[1], [1], [0], [0], [0, 0, 1, 0], [], []>, transpose_lhs_hint = false} : vector<256x128xf32>, vector<128x128xf32>, vector<256x128xf32> -> vector<256x128xf32>
    %get3A_288 = arith.constant 7 : index
    %get3A_289 = arith.constant 0 : index
    %get3A_290 = arith.constant 0 : index
    %get3A_291 = vector.load %arg9[%get3A_288, %get3A_289, %get3A_290] : memref<8x128x128xf32, #tpu.memory_space<vmem>>, vector<1x128x128xf32>
    %get3A_292 = vector.shape_cast %get3A_291 : vector<1x128x128xf32> to vector<128x128xf32>
    %dot_general3A_293 = arith.constant dense<0.000000e+00> : vector<256x128xf32>
    %dot_general3A_294 = tpu.matmul %dot_general3A_231, %get3A_292, %dot_general3A_293 {dimension_numbers = #tpu.dot_dimension_numbers<[1], [1], [0], [0], [0, 0, 1, 0], [], []>, transpose_lhs_hint = false} : vector<256x128xf32>, vector<128x128xf32>, vector<256x128xf32> -> vector<256x128xf32>
    %add3A_295 = arith.addf %dot_general3A_287, %dot_general3A_294 : vector<256x128xf32>
    %get3A_296 = arith.constant 2 : index
    %get3A_297 = arith.constant 0 : index
    %get3A_298 = arith.constant 0 : index
    %get3A_299 = vector.load %arg9[%get3A_296, %get3A_297, %get3A_298] : memref<8x128x128xf32, #tpu.memory_space<vmem>>, vector<1x128x128xf32>
    %get3A_300 = vector.shape_cast %get3A_299 : vector<1x128x128xf32> to vector<128x128xf32>
    %dot_general3A_301 = arith.constant dense<0.000000e+00> : vector<256x128xf32>
    %dot_general3A_302 = tpu.matmul %sub3A_247, %get3A_300, %dot_general3A_301 {dimension_numbers = #tpu.dot_dimension_numbers<[1], [1], [0], [0], [0, 0, 1, 0], [], []>, transpose_lhs_hint = false} : vector<256x128xf32>, vector<128x128xf32>, vector<256x128xf32> -> vector<256x128xf32>
    %add3A_303 = arith.addf %add3A_295, %dot_general3A_302 : vector<256x128xf32>
    %get3A_304 = arith.constant 3 : index
    %get3A_305 = arith.constant 0 : index
    %get3A_306 = arith.constant 0 : index
    %get3A_307 = vector.load %arg9[%get3A_304, %get3A_305, %get3A_306] : memref<8x128x128xf32, #tpu.memory_space<vmem>>, vector<1x128x128xf32>
    %get3A_308 = vector.shape_cast %get3A_307 : vector<1x128x128xf32> to vector<128x128xf32>
    %dot_general3A_309 = arith.constant dense<0.000000e+00> : vector<256x128xf32>
    %dot_general3A_310 = tpu.matmul %sub3A_249, %get3A_308, %dot_general3A_309 {dimension_numbers = #tpu.dot_dimension_numbers<[1], [1], [0], [0], [0, 0, 1, 0], [], []>, transpose_lhs_hint = false} : vector<256x128xf32>, vector<128x128xf32>, vector<256x128xf32> -> vector<256x128xf32>
    %add3A_311 = arith.addf %add3A_303, %dot_general3A_310 : vector<256x128xf32>
    %gt3A_312 = arith.constant 5.000000e-01 : f32
    %gt3A_313 = vector.broadcast %gt3A_312 : f32 to vector<256x1xf32>
    %gt3A_314 = arith.cmpf ogt, %get3A_193, %gt3A_313 : vector<256x1xf32>
    %broadcast_in_dim3A_315 = vector.shape_cast %gt3A_314 : vector<256x1xi1> to vector<256x1xi1>
    %broadcast_in_dim3A_316 = vector.broadcast %broadcast_in_dim3A_315 : vector<256x1xi1> to vector<256x128xi1>
    %select_n3A_317 = arith.select %broadcast_in_dim3A_316, %add3A_311, %add3A_280 : vector<256x128xi1>, vector<256x128xf32>
    %get3A_318 = arith.constant 0 : index
    %get3A_319 = arith.constant 0 : index
    %get3A_320 = vector.load %arg7[%get3A_318, %get3A_319] : memref<128x128xf32, #tpu.memory_space<vmem>>, vector<128x128xf32>
    %dot_general3A_321 = arith.constant dense<0.000000e+00> : vector<256x128xf32>
    %dot_general3A_322 = tpu.matmul %get3A_175, %get3A_320, %dot_general3A_321 {dimension_numbers = #tpu.dot_dimension_numbers<[1], [1], [0], [0], [0, 0, 1, 0], [], []>, transpose_lhs_hint = false} : vector<256x128xf32>, vector<128x128xf32>, vector<256x128xf32> -> vector<256x128xf32>
    %add3A_323 = vector.broadcast %get3A_12 : vector<1x128xf32> to vector<256x128xf32>
    %add3A_324 = arith.addf %dot_general3A_322, %add3A_323 : vector<256x128xf32>
    %add3A_325 = arith.addf %add3A_324, %select_n3A_317 : vector<256x128xf32>
    %max3A_326 = arith.constant 0.000000e+00 : f32
    %max3A_327 = vector.broadcast %max3A_326 : f32 to vector<256x128xf32>
    %max3A_328 = arith.maximumf %add3A_325, %max3A_327 : vector<256x128xf32>
    %swap3A_329 = arith.constant 0 : index
    %swap3A_330 = arith.constant 1 : index
    %swap3A_331 = arith.constant 0 : index
    %swap3A_332 = arith.constant 0 : index
    %swap3A_333 = vector.load %arg10[%swap3A_329, %swap3A_330, %swap3A_331, %swap3A_332] : memref<1x4x256x128xf32, #tpu.memory_space<vmem>>, vector<1x1x256x128xf32>
    %swap3A_334 = vector.shape_cast %swap3A_333 : vector<1x1x256x128xf32> to vector<256x128xf32>
    %swap3A_335 = vector.shape_cast %max3A_328 : vector<256x128xf32> to vector<1x1x256x128xf32>
    tpu.vector_store %arg10[%swap3A_329, %swap3A_330, %swap3A_331, %swap3A_332], %swap3A_335 {strides = array<i32>} : memref<1x4x256x128xf32, #tpu.memory_space<vmem>>, vector<1x1x256x128xf32>,
    %get3A_336 = arith.constant 0 : index
    %get3A_337 = arith.constant 2 : index
    %get3A_338 = arith.constant 0 : index
    %get3A_339 = arith.constant 0 : index
    %get3A_340 = vector.load %arg1[%get3A_336, %get3A_337, %get3A_338, %get3A_339] : memref<1x4x256x128xf32, #tpu.memory_space<vmem>>, vector<1x1x256x128xf32>
    %get3A_341 = vector.shape_cast %get3A_340 : vector<1x1x256x128xf32> to vector<256x128xf32>
    %get3A_342 = arith.constant 0 : index
    %get3A_343 = arith.constant 2 : index
    %get3A_344 = arith.constant 0 : index
    %get3A_345 = arith.constant 0 : index
    %get3A_346 = vector.load %arg3[%get3A_342, %get3A_343, %get3A_344, %get3A_345] : memref<1x4x1x256xf32, #tpu.memory_space<vmem>>, vector<1x1x1x256xf32>
    %get3A_347 = vector.shape_cast %get3A_346 : vector<1x1x1x256xf32> to vector<1x256xf32>
    %get3A_348 = arith.constant 0 : index
    %get3A_349 = arith.constant 2 : index
    %get3A_350 = arith.constant 0 : index
    %get3A_351 = arith.constant 0 : index
    %get3A_352 = vector.load %arg2[%get3A_348, %get3A_349, %get3A_350, %get3A_351] : memref<1x4x256x1xf32, #tpu.memory_space<vmem>>, vector<1x1x256x1xf32>
    %get3A_353 = vector.shape_cast %get3A_352 : vector<1x1x256x1xf32> to vector<256x1xf32>
    %get3A_354 = arith.constant 0 : index
    %get3A_355 = arith.constant 2 : index
    %get3A_356 = arith.constant 0 : index
    %get3A_357 = arith.constant 0 : index
    %get3A_358 = vector.load %arg4[%get3A_354, %get3A_355, %get3A_356, %get3A_357] : memref<1x4x256x1xf32, #tpu.memory_space<vmem>>, vector<1x1x256x1xf32>
    %get3A_359 = vector.shape_cast %get3A_358 : vector<1x1x256x1xf32> to vector<256x1xf32>
    %mul3A_360 = vector.broadcast %get3A_9 : vector<1x128xf32> to vector<256x128xf32>
    %mul3A_361 = arith.mulf %get3A_341, %mul3A_360 : vector<256x128xf32>
    %reduce_sum3A_362 = arith.constant dense<0.000000e+00> : vector<256xf32>
    %reduce_sum3A_363 = vector.multi_reduction <add>, %mul3A_361, %reduce_sum3A_362 [1] : vector<256x128xf32> to vector<256xf32>
    %broadcast_in_dim3A_364 = vector.shape_cast %reduce_sum3A_363 : vector<256xf32> to vector<256x1xf32>
    %add3A_365 = vector.broadcast %get3A_15 : vector<1x1xf32> to vector<256x1xf32>
    %add3A_366 = arith.addf %broadcast_in_dim3A_364, %add3A_365 : vector<256x1xf32>
    %neg3A_367 = arith.constant 0.000000e+00 : f32
    %neg3A_368 = vector.broadcast %neg3A_367 : f32 to vector<256x1xf32>
    %neg3A_369 = arith.subf %neg3A_368, %add3A_366 : vector<256x1xf32>
    %exp3A_370 = math.exp %neg3A_369 : vector<256x1xf32>
    %add3A_371 = arith.constant 1.000000e+00 : f32
    %add3A_372 = vector.broadcast %add3A_371 : f32 to vector<256x1xf32>
    %add3A_373 = arith.addf %add3A_372, %exp3A_370 : vector<256x1xf32>
    %div3A_374 = arith.constant 0.0158730168 : f32
    %div3A_375 = vector.broadcast %div3A_374 : f32 to vector<256x1xf32>
    %div3A_376 = arith.divf %div3A_375, %add3A_373 : vector<256x1xf32>
    %mul3A_377 = vector.broadcast %div3A_376 : vector<256x1xf32> to vector<256x128xf32>
    %mul3A_378 = arith.mulf %get3A_341, %mul3A_377 : vector<256x128xf32>
    %gt3A_379 = arith.constant 5.000000e-01 : f32
    %gt3A_380 = vector.broadcast %gt3A_379 : f32 to vector<256x1xf32>
    %gt3A_381 = arith.cmpf ogt, %get3A_359, %gt3A_380 : vector<256x1xf32>
    %jit3A_382 = arith.constant 0.000000e+00 : f32
    %broadcast_in_dim3A_383 = vector.shape_cast %gt3A_381 : vector<256x1xi1> to vector<256x1xi1>
    %broadcast_in_dim3A_384 = vector.broadcast %broadcast_in_dim3A_383 : vector<256x1xi1> to vector<256x128xi1>
    %broadcast_in_dim3A_385 = vector.broadcast %jit3A_382 : f32 to vector<256x128xf32>
    %select_n3A_386 = arith.select %broadcast_in_dim3A_384, %mul3A_378, %broadcast_in_dim3A_385 : vector<256x128xi1>, vector<256x128xf32>
    %sub3A_387 = arith.subf %mul3A_378, %select_n3A_386 : vector<256x128xf32>
    %gt3A_388 = vector.broadcast %get3A_353 : vector<256x1xf32> to vector<256x256xf32>
    %gt3A_389 = vector.broadcast %get3A_347 : vector<1x256xf32> to vector<256x256xf32>
    %gt3A_390 = arith.cmpf ogt, %gt3A_388, %gt3A_389 : vector<256x256xf32>
    %jit3A_391 = arith.constant 0.000000e+00 : f32
    %broadcast_in_dim3A_392 = vector.broadcast %jit3A_391 : f32 to vector<256x256xf32>
    %select_n3A_393 = arith.select %gt3A_390, %select_n3A, %broadcast_in_dim3A_392 : vector<256x256xi1>, vector<256x256xf32>
    %dot_general3A_394 = arith.constant dense<0.000000e+00> : vector<256x128xf32>
    %dot_general3A_395 = tpu.matmul %select_n3A_393, %sub3A_387, %dot_general3A_394 {dimension_numbers = #tpu.dot_dimension_numbers<[1], [0], [0], [1], [0, 0, 1, 1], [], []>, transpose_lhs_hint = false} : vector<256x256xf32>, vector<256x128xf32>, vector<256x128xf32> -> vector<256x128xf32>
    %dot_general3A_396 = arith.constant dense<0.000000e+00> : vector<256x128xf32>
    %dot_general3A_397 = tpu.matmul %select_n3A_393, %select_n3A_386, %dot_general3A_396 {dimension_numbers = #tpu.dot_dimension_numbers<[1], [0], [0], [1], [0, 0, 1, 1], [], []>, transpose_lhs_hint = false} : vector<256x256xf32>, vector<256x128xf32>, vector<256x128xf32> -> vector<256x128xf32>
    %reshape3A_398 = vector.shape_cast %sub3A_387 : vector<256x128xf32> to vector<4x64x128xf32>
    %reduce_sum3A_399 = arith.constant dense<0.000000e+00> : vector<4x128xf32>
    %reduce_sum3A_400 = vector.multi_reduction <add>, %reshape3A_398, %reduce_sum3A_399 [1] : vector<4x64x128xf32> to vector<4x128xf32>
    %broadcast_in_dim3A_401 = vector.shape_cast %reduce_sum3A_400 : vector<4x128xf32> to vector<4x1x128xf32>
    %reshape3A_402 = vector.shape_cast %select_n3A_386 : vector<256x128xf32> to vector<4x64x128xf32>
    %reduce_sum3A_403 = arith.constant dense<0.000000e+00> : vector<4x128xf32>
    %reduce_sum3A_404 = vector.multi_reduction <add>, %reshape3A_402, %reduce_sum3A_403 [1] : vector<4x64x128xf32> to vector<4x128xf32>
    %broadcast_in_dim3A_405 = vector.shape_cast %reduce_sum3A_404 : vector<4x128xf32> to vector<4x1x128xf32>
    %broadcast_in_dim3A_406 = vector.shape_cast %broadcast_in_dim3A_401 : vector<4x1x128xf32> to vector<4x1x128xf32>
    %broadcast_in_dim3A_407 = vector.broadcast %broadcast_in_dim3A_406 : vector<4x1x128xf32> to vector<4x64x128xf32>
    %reshape3A_408 = vector.shape_cast %broadcast_in_dim3A_407 : vector<4x64x128xf32> to vector<256x128xf32>
    %broadcast_in_dim3A_409 = vector.shape_cast %broadcast_in_dim3A_405 : vector<4x1x128xf32> to vector<4x1x128xf32>
    %broadcast_in_dim3A_410 = vector.broadcast %broadcast_in_dim3A_409 : vector<4x1x128xf32> to vector<4x64x128xf32>
    %reshape3A_411 = vector.shape_cast %broadcast_in_dim3A_410 : vector<4x64x128xf32> to vector<256x128xf32>
    %sub3A_412 = arith.subf %reshape3A_408, %sub3A_387 : vector<256x128xf32>
    %sub3A_413 = arith.subf %sub3A_412, %dot_general3A_395 : vector<256x128xf32>
    %sub3A_414 = arith.subf %reshape3A_411, %select_n3A_386 : vector<256x128xf32>
    %sub3A_415 = arith.subf %sub3A_414, %dot_general3A_397 : vector<256x128xf32>
    %get3A_416 = arith.constant 4 : index
    %get3A_417 = arith.constant 0 : index
    %get3A_418 = arith.constant 0 : index
    %get3A_419 = vector.load %arg9[%get3A_416, %get3A_417, %get3A_418] : memref<8x128x128xf32, #tpu.memory_space<vmem>>, vector<1x128x128xf32>
    %get3A_420 = vector.shape_cast %get3A_419 : vector<1x128x128xf32> to vector<128x128xf32>
    %dot_general3A_421 = arith.constant dense<0.000000e+00> : vector<256x128xf32>
    %dot_general3A_422 = tpu.matmul %dot_general3A_395, %get3A_420, %dot_general3A_421 {dimension_numbers = #tpu.dot_dimension_numbers<[1], [1], [0], [0], [0, 0, 1, 0], [], []>, transpose_lhs_hint = false} : vector<256x128xf32>, vector<128x128xf32>, vector<256x128xf32> -> vector<256x128xf32>
    %get3A_423 = arith.constant 5 : index
    %get3A_424 = arith.constant 0 : index
    %get3A_425 = arith.constant 0 : index
    %get3A_426 = vector.load %arg9[%get3A_423, %get3A_424, %get3A_425] : memref<8x128x128xf32, #tpu.memory_space<vmem>>, vector<1x128x128xf32>
    %get3A_427 = vector.shape_cast %get3A_426 : vector<1x128x128xf32> to vector<128x128xf32>
    %dot_general3A_428 = arith.constant dense<0.000000e+00> : vector<256x128xf32>
    %dot_general3A_429 = tpu.matmul %dot_general3A_397, %get3A_427, %dot_general3A_428 {dimension_numbers = #tpu.dot_dimension_numbers<[1], [1], [0], [0], [0, 0, 1, 0], [], []>, transpose_lhs_hint = false} : vector<256x128xf32>, vector<128x128xf32>, vector<256x128xf32> -> vector<256x128xf32>
    %add3A_430 = arith.addf %dot_general3A_422, %dot_general3A_429 : vector<256x128xf32>
    %get3A_431 = arith.constant 0 : index
    %get3A_432 = arith.constant 0 : index
    %get3A_433 = arith.constant 0 : index
    %get3A_434 = vector.load %arg9[%get3A_431, %get3A_432, %get3A_433] : memref<8x128x128xf32, #tpu.memory_space<vmem>>, vector<1x128x128xf32>
    %get3A_435 = vector.shape_cast %get3A_434 : vector<1x128x128xf32> to vector<128x128xf32>
    %dot_general3A_436 = arith.constant dense<0.000000e+00> : vector<256x128xf32>
    %dot_general3A_437 = tpu.matmul %sub3A_413, %get3A_435, %dot_general3A_436 {dimension_numbers = #tpu.dot_dimension_numbers<[1], [1], [0], [0], [0, 0, 1, 0], [], []>, transpose_lhs_hint = false} : vector<256x128xf32>, vector<128x128xf32>, vector<256x128xf32> -> vector<256x128xf32>
    %add3A_438 = arith.addf %add3A_430, %dot_general3A_437 : vector<256x128xf32>
    %get3A_439 = arith.constant 1 : index
    %get3A_440 = arith.constant 0 : index
    %get3A_441 = arith.constant 0 : index
    %get3A_442 = vector.load %arg9[%get3A_439, %get3A_440, %get3A_441] : memref<8x128x128xf32, #tpu.memory_space<vmem>>, vector<1x128x128xf32>
    %get3A_443 = vector.shape_cast %get3A_442 : vector<1x128x128xf32> to vector<128x128xf32>
    %dot_general3A_444 = arith.constant dense<0.000000e+00> : vector<256x128xf32>
    %dot_general3A_445 = tpu.matmul %sub3A_415, %get3A_443, %dot_general3A_444 {dimension_numbers = #tpu.dot_dimension_numbers<[1], [1], [0], [0], [0, 0, 1, 0], [], []>, transpose_lhs_hint = false} : vector<256x128xf32>, vector<128x128xf32>, vector<256x128xf32> -> vector<256x128xf32>
    %add3A_446 = arith.addf %add3A_438, %dot_general3A_445 : vector<256x128xf32>
    %get3A_447 = arith.constant 6 : index
    %get3A_448 = arith.constant 0 : index
    %get3A_449 = arith.constant 0 : index
    %get3A_450 = vector.load %arg9[%get3A_447, %get3A_448, %get3A_449] : memref<8x128x128xf32, #tpu.memory_space<vmem>>, vector<1x128x128xf32>
    %get3A_451 = vector.shape_cast %get3A_450 : vector<1x128x128xf32> to vector<128x128xf32>
    %dot_general3A_452 = arith.constant dense<0.000000e+00> : vector<256x128xf32>
    %dot_general3A_453 = tpu.matmul %dot_general3A_395, %get3A_451, %dot_general3A_452 {dimension_numbers = #tpu.dot_dimension_numbers<[1], [1], [0], [0], [0, 0, 1, 0], [], []>, transpose_lhs_hint = false} : vector<256x128xf32>, vector<128x128xf32>, vector<256x128xf32> -> vector<256x128xf32>
    %get3A_454 = arith.constant 7 : index
    %get3A_455 = arith.constant 0 : index
    %get3A_456 = arith.constant 0 : index
    %get3A_457 = vector.load %arg9[%get3A_454, %get3A_455, %get3A_456] : memref<8x128x128xf32, #tpu.memory_space<vmem>>, vector<1x128x128xf32>
    %get3A_458 = vector.shape_cast %get3A_457 : vector<1x128x128xf32> to vector<128x128xf32>
    %dot_general3A_459 = arith.constant dense<0.000000e+00> : vector<256x128xf32>
    %dot_general3A_460 = tpu.matmul %dot_general3A_397, %get3A_458, %dot_general3A_459 {dimension_numbers = #tpu.dot_dimension_numbers<[1], [1], [0], [0], [0, 0, 1, 0], [], []>, transpose_lhs_hint = false} : vector<256x128xf32>, vector<128x128xf32>, vector<256x128xf32> -> vector<256x128xf32>
    %add3A_461 = arith.addf %dot_general3A_453, %dot_general3A_460 : vector<256x128xf32>
    %get3A_462 = arith.constant 2 : index
    %get3A_463 = arith.constant 0 : index
    %get3A_464 = arith.constant 0 : index
    %get3A_465 = vector.load %arg9[%get3A_462, %get3A_463, %get3A_464] : memref<8x128x128xf32, #tpu.memory_space<vmem>>, vector<1x128x128xf32>
    %get3A_466 = vector.shape_cast %get3A_465 : vector<1x128x128xf32> to vector<128x128xf32>
    %dot_general3A_467 = arith.constant dense<0.000000e+00> : vector<256x128xf32>
    %dot_general3A_468 = tpu.matmul %sub3A_413, %get3A_466, %dot_general3A_467 {dimension_numbers = #tpu.dot_dimension_numbers<[1], [1], [0], [0], [0, 0, 1, 0], [], []>, transpose_lhs_hint = false} : vector<256x128xf32>, vector<128x128xf32>, vector<256x128xf32> -> vector<256x128xf32>
    %add3A_469 = arith.addf %add3A_461, %dot_general3A_468 : vector<256x128xf32>
    %get3A_470 = arith.constant 3 : index
    %get3A_471 = arith.constant 0 : index
    %get3A_472 = arith.constant 0 : index
    %get3A_473 = vector.load %arg9[%get3A_470, %get3A_471, %get3A_472] : memref<8x128x128xf32, #tpu.memory_space<vmem>>, vector<1x128x128xf32>
    %get3A_474 = vector.shape_cast %get3A_473 : vector<1x128x128xf32> to vector<128x128xf32>
    %dot_general3A_475 = arith.constant dense<0.000000e+00> : vector<256x128xf32>
    %dot_general3A_476 = tpu.matmul %sub3A_415, %get3A_474, %dot_general3A_475 {dimension_numbers = #tpu.dot_dimension_numbers<[1], [1], [0], [0], [0, 0, 1, 0], [], []>, transpose_lhs_hint = false} : vector<256x128xf32>, vector<128x128xf32>, vector<256x128xf32> -> vector<256x128xf32>
    %add3A_477 = arith.addf %add3A_469, %dot_general3A_476 : vector<256x128xf32>
    %gt3A_478 = arith.constant 5.000000e-01 : f32
    %gt3A_479 = vector.broadcast %gt3A_478 : f32 to vector<256x1xf32>
    %gt3A_480 = arith.cmpf ogt, %get3A_359, %gt3A_479 : vector<256x1xf32>
    %broadcast_in_dim3A_481 = vector.shape_cast %gt3A_480 : vector<256x1xi1> to vector<256x1xi1>
    %broadcast_in_dim3A_482 = vector.broadcast %broadcast_in_dim3A_481 : vector<256x1xi1> to vector<256x128xi1>
    %select_n3A_483 = arith.select %broadcast_in_dim3A_482, %add3A_477, %add3A_446 : vector<256x128xi1>, vector<256x128xf32>
    %get3A_484 = arith.constant 0 : index
    %get3A_485 = arith.constant 0 : index
    %get3A_486 = vector.load %arg7[%get3A_484, %get3A_485] : memref<128x128xf32, #tpu.memory_space<vmem>>, vector<128x128xf32>
    %dot_general3A_487 = arith.constant dense<0.000000e+00> : vector<256x128xf32>
    %dot_general3A_488 = tpu.matmul %get3A_341, %get3A_486, %dot_general3A_487 {dimension_numbers = #tpu.dot_dimension_numbers<[1], [1], [0], [0], [0, 0, 1, 0], [], []>, transpose_lhs_hint = false} : vector<256x128xf32>, vector<128x128xf32>, vector<256x128xf32> -> vector<256x128xf32>
    %add3A_489 = vector.broadcast %get3A_12 : vector<1x128xf32> to vector<256x128xf32>
    %add3A_490 = arith.addf %dot_general3A_488, %add3A_489 : vector<256x128xf32>
    %add3A_491 = arith.addf %add3A_490, %select_n3A_483 : vector<256x128xf32>
    %max3A_492 = arith.constant 0.000000e+00 : f32
    %max3A_493 = vector.broadcast %max3A_492 : f32 to vector<256x128xf32>
    %max3A_494 = arith.maximumf %add3A_491, %max3A_493 : vector<256x128xf32>
    %swap3A_495 = arith.constant 0 : index
    %swap3A_496 = arith.constant 2 : index
    %swap3A_497 = arith.constant 0 : index
    %swap3A_498 = arith.constant 0 : index
    %swap3A_499 = vector.load %arg10[%swap3A_495, %swap3A_496, %swap3A_497, %swap3A_498] : memref<1x4x256x128xf32, #tpu.memory_space<vmem>>, vector<1x1x256x128xf32>
    %swap3A_500 = vector.shape_cast %swap3A_499 : vector<1x1x256x128xf32> to vector<256x128xf32>
    %swap3A_501 = vector.shape_cast %max3A_494 : vector<256x128xf32> to vector<1x1x256x128xf32>
    tpu.vector_store %arg10[%swap3A_495, %swap3A_496, %swap3A_497, %swap3A_498], %swap3A_501 {strides = array<i32>} : memref<1x4x256x128xf32, #tpu.memory_space<vmem>>, vector<1x1x256x128xf32>,
    %get3A_502 = arith.constant 0 : index
    %get3A_503 = arith.constant 3 : index
    %get3A_504 = arith.constant 0 : index
    %get3A_505 = arith.constant 0 : index
    %get3A_506 = vector.load %arg1[%get3A_502, %get3A_503, %get3A_504, %get3A_505] : memref<1x4x256x128xf32, #tpu.memory_space<vmem>>, vector<1x1x256x128xf32>
    %get3A_507 = vector.shape_cast %get3A_506 : vector<1x1x256x128xf32> to vector<256x128xf32>
    %get3A_508 = arith.constant 0 : index
    %get3A_509 = arith.constant 3 : index
    %get3A_510 = arith.constant 0 : index
    %get3A_511 = arith.constant 0 : index
    %get3A_512 = vector.load %arg3[%get3A_508, %get3A_509, %get3A_510, %get3A_511] : memref<1x4x1x256xf32, #tpu.memory_space<vmem>>, vector<1x1x1x256xf32>
    %get3A_513 = vector.shape_cast %get3A_512 : vector<1x1x1x256xf32> to vector<1x256xf32>
    %get3A_514 = arith.constant 0 : index
    %get3A_515 = arith.constant 3 : index
    %get3A_516 = arith.constant 0 : index
    %get3A_517 = arith.constant 0 : index
    %get3A_518 = vector.load %arg2[%get3A_514, %get3A_515, %get3A_516, %get3A_517] : memref<1x4x256x1xf32, #tpu.memory_space<vmem>>, vector<1x1x256x1xf32>
    %get3A_519 = vector.shape_cast %get3A_518 : vector<1x1x256x1xf32> to vector<256x1xf32>
    %get3A_520 = arith.constant 0 : index
    %get3A_521 = arith.constant 3 : index
    %get3A_522 = arith.constant 0 : index
    %get3A_523 = arith.constant 0 : index
    %get3A_524 = vector.load %arg4[%get3A_520, %get3A_521, %get3A_522, %get3A_523] : memref<1x4x256x1xf32, #tpu.memory_space<vmem>>, vector<1x1x256x1xf32>
    %get3A_525 = vector.shape_cast %get3A_524 : vector<1x1x256x1xf32> to vector<256x1xf32>
    %mul3A_526 = vector.broadcast %get3A_9 : vector<1x128xf32> to vector<256x128xf32>
    %mul3A_527 = arith.mulf %get3A_507, %mul3A_526 : vector<256x128xf32>
    %reduce_sum3A_528 = arith.constant dense<0.000000e+00> : vector<256xf32>
    %reduce_sum3A_529 = vector.multi_reduction <add>, %mul3A_527, %reduce_sum3A_528 [1] : vector<256x128xf32> to vector<256xf32>
    %broadcast_in_dim3A_530 = vector.shape_cast %reduce_sum3A_529 : vector<256xf32> to vector<256x1xf32>
    %add3A_531 = vector.broadcast %get3A_15 : vector<1x1xf32> to vector<256x1xf32>
    %add3A_532 = arith.addf %broadcast_in_dim3A_530, %add3A_531 : vector<256x1xf32>
    %neg3A_533 = arith.constant 0.000000e+00 : f32
    %neg3A_534 = vector.broadcast %neg3A_533 : f32 to vector<256x1xf32>
    %neg3A_535 = arith.subf %neg3A_534, %add3A_532 : vector<256x1xf32>
    %exp3A_536 = math.exp %neg3A_535 : vector<256x1xf32>
    %add3A_537 = arith.constant 1.000000e+00 : f32
    %add3A_538 = vector.broadcast %add3A_537 : f32 to vector<256x1xf32>
    %add3A_539 = arith.addf %add3A_538, %exp3A_536 : vector<256x1xf32>
    %div3A_540 = arith.constant 0.0158730168 : f32
    %div3A_541 = vector.broadcast %div3A_540 : f32 to vector<256x1xf32>
    %div3A_542 = arith.divf %div3A_541, %add3A_539 : vector<256x1xf32>
    %mul3A_543 = vector.broadcast %div3A_542 : vector<256x1xf32> to vector<256x128xf32>
    %mul3A_544 = arith.mulf %get3A_507, %mul3A_543 : vector<256x128xf32>
    %gt3A_545 = arith.constant 5.000000e-01 : f32
    %gt3A_546 = vector.broadcast %gt3A_545 : f32 to vector<256x1xf32>
    %gt3A_547 = arith.cmpf ogt, %get3A_525, %gt3A_546 : vector<256x1xf32>
    %jit3A_548 = arith.constant 0.000000e+00 : f32
    %broadcast_in_dim3A_549 = vector.shape_cast %gt3A_547 : vector<256x1xi1> to vector<256x1xi1>
    %broadcast_in_dim3A_550 = vector.broadcast %broadcast_in_dim3A_549 : vector<256x1xi1> to vector<256x128xi1>
    %broadcast_in_dim3A_551 = vector.broadcast %jit3A_548 : f32 to vector<256x128xf32>
    %select_n3A_552 = arith.select %broadcast_in_dim3A_550, %mul3A_544, %broadcast_in_dim3A_551 : vector<256x128xi1>, vector<256x128xf32>
    %sub3A_553 = arith.subf %mul3A_544, %select_n3A_552 : vector<256x128xf32>
    %gt3A_554 = vector.broadcast %get3A_519 : vector<256x1xf32> to vector<256x256xf32>
    %gt3A_555 = vector.broadcast %get3A_513 : vector<1x256xf32> to vector<256x256xf32>
    %gt3A_556 = arith.cmpf ogt, %gt3A_554, %gt3A_555 : vector<256x256xf32>
    %jit3A_557 = arith.constant 0.000000e+00 : f32
    %broadcast_in_dim3A_558 = vector.broadcast %jit3A_557 : f32 to vector<256x256xf32>
    %select_n3A_559 = arith.select %gt3A_556, %select_n3A, %broadcast_in_dim3A_558 : vector<256x256xi1>, vector<256x256xf32>
    %dot_general3A_560 = arith.constant dense<0.000000e+00> : vector<256x128xf32>
    %dot_general3A_561 = tpu.matmul %select_n3A_559, %sub3A_553, %dot_general3A_560 {dimension_numbers = #tpu.dot_dimension_numbers<[1], [0], [0], [1], [0, 0, 1, 1], [], []>, transpose_lhs_hint = false} : vector<256x256xf32>, vector<256x128xf32>, vector<256x128xf32> -> vector<256x128xf32>
    %dot_general3A_562 = arith.constant dense<0.000000e+00> : vector<256x128xf32>
    %dot_general3A_563 = tpu.matmul %select_n3A_559, %select_n3A_552, %dot_general3A_562 {dimension_numbers = #tpu.dot_dimension_numbers<[1], [0], [0], [1], [0, 0, 1, 1], [], []>, transpose_lhs_hint = false} : vector<256x256xf32>, vector<256x128xf32>, vector<256x128xf32> -> vector<256x128xf32>
    %reshape3A_564 = vector.shape_cast %sub3A_553 : vector<256x128xf32> to vector<4x64x128xf32>
    %reduce_sum3A_565 = arith.constant dense<0.000000e+00> : vector<4x128xf32>
    %reduce_sum3A_566 = vector.multi_reduction <add>, %reshape3A_564, %reduce_sum3A_565 [1] : vector<4x64x128xf32> to vector<4x128xf32>
    %broadcast_in_dim3A_567 = vector.shape_cast %reduce_sum3A_566 : vector<4x128xf32> to vector<4x1x128xf32>
    %reshape3A_568 = vector.shape_cast %select_n3A_552 : vector<256x128xf32> to vector<4x64x128xf32>
    %reduce_sum3A_569 = arith.constant dense<0.000000e+00> : vector<4x128xf32>
    %reduce_sum3A_570 = vector.multi_reduction <add>, %reshape3A_568, %reduce_sum3A_569 [1] : vector<4x64x128xf32> to vector<4x128xf32>
    %broadcast_in_dim3A_571 = vector.shape_cast %reduce_sum3A_570 : vector<4x128xf32> to vector<4x1x128xf32>
    %broadcast_in_dim3A_572 = vector.shape_cast %broadcast_in_dim3A_567 : vector<4x1x128xf32> to vector<4x1x128xf32>
    %broadcast_in_dim3A_573 = vector.broadcast %broadcast_in_dim3A_572 : vector<4x1x128xf32> to vector<4x64x128xf32>
    %reshape3A_574 = vector.shape_cast %broadcast_in_dim3A_573 : vector<4x64x128xf32> to vector<256x128xf32>
    %broadcast_in_dim3A_575 = vector.shape_cast %broadcast_in_dim3A_571 : vector<4x1x128xf32> to vector<4x1x128xf32>
    %broadcast_in_dim3A_576 = vector.broadcast %broadcast_in_dim3A_575 : vector<4x1x128xf32> to vector<4x64x128xf32>
    %reshape3A_577 = vector.shape_cast %broadcast_in_dim3A_576 : vector<4x64x128xf32> to vector<256x128xf32>
    %sub3A_578 = arith.subf %reshape3A_574, %sub3A_553 : vector<256x128xf32>
    %sub3A_579 = arith.subf %sub3A_578, %dot_general3A_561 : vector<256x128xf32>
    %sub3A_580 = arith.subf %reshape3A_577, %select_n3A_552 : vector<256x128xf32>
    %sub3A_581 = arith.subf %sub3A_580, %dot_general3A_563 : vector<256x128xf32>
    %get3A_582 = arith.constant 4 : index
    %get3A_583 = arith.constant 0 : index
    %get3A_584 = arith.constant 0 : index
    %get3A_585 = vector.load %arg9[%get3A_582, %get3A_583, %get3A_584] : memref<8x128x128xf32, #tpu.memory_space<vmem>>, vector<1x128x128xf32>
    %get3A_586 = vector.shape_cast %get3A_585 : vector<1x128x128xf32> to vector<128x128xf32>
    %dot_general3A_587 = arith.constant dense<0.000000e+00> : vector<256x128xf32>
    %dot_general3A_588 = tpu.matmul %dot_general3A_561, %get3A_586, %dot_general3A_587 {dimension_numbers = #tpu.dot_dimension_numbers<[1], [1], [0], [0], [0, 0, 1, 0], [], []>, transpose_lhs_hint = false} : vector<256x128xf32>, vector<128x128xf32>, vector<256x128xf32> -> vector<256x128xf32>
    %get3A_589 = arith.constant 5 : index
    %get3A_590 = arith.constant 0 : index
    %get3A_591 = arith.constant 0 : index
    %get3A_592 = vector.load %arg9[%get3A_589, %get3A_590, %get3A_591] : memref<8x128x128xf32, #tpu.memory_space<vmem>>, vector<1x128x128xf32>
    %get3A_593 = vector.shape_cast %get3A_592 : vector<1x128x128xf32> to vector<128x128xf32>
    %dot_general3A_594 = arith.constant dense<0.000000e+00> : vector<256x128xf32>
    %dot_general3A_595 = tpu.matmul %dot_general3A_563, %get3A_593, %dot_general3A_594 {dimension_numbers = #tpu.dot_dimension_numbers<[1], [1], [0], [0], [0, 0, 1, 0], [], []>, transpose_lhs_hint = false} : vector<256x128xf32>, vector<128x128xf32>, vector<256x128xf32> -> vector<256x128xf32>
    %add3A_596 = arith.addf %dot_general3A_588, %dot_general3A_595 : vector<256x128xf32>
    %get3A_597 = arith.constant 0 : index
    %get3A_598 = arith.constant 0 : index
    %get3A_599 = arith.constant 0 : index
    %get3A_600 = vector.load %arg9[%get3A_597, %get3A_598, %get3A_599] : memref<8x128x128xf32, #tpu.memory_space<vmem>>, vector<1x128x128xf32>
    %get3A_601 = vector.shape_cast %get3A_600 : vector<1x128x128xf32> to vector<128x128xf32>
    %dot_general3A_602 = arith.constant dense<0.000000e+00> : vector<256x128xf32>
    %dot_general3A_603 = tpu.matmul %sub3A_579, %get3A_601, %dot_general3A_602 {dimension_numbers = #tpu.dot_dimension_numbers<[1], [1], [0], [0], [0, 0, 1, 0], [], []>, transpose_lhs_hint = false} : vector<256x128xf32>, vector<128x128xf32>, vector<256x128xf32> -> vector<256x128xf32>
    %add3A_604 = arith.addf %add3A_596, %dot_general3A_603 : vector<256x128xf32>
    %get3A_605 = arith.constant 1 : index
    %get3A_606 = arith.constant 0 : index
    %get3A_607 = arith.constant 0 : index
    %get3A_608 = vector.load %arg9[%get3A_605, %get3A_606, %get3A_607] : memref<8x128x128xf32, #tpu.memory_space<vmem>>, vector<1x128x128xf32>
    %get3A_609 = vector.shape_cast %get3A_608 : vector<1x128x128xf32> to vector<128x128xf32>
    %dot_general3A_610 = arith.constant dense<0.000000e+00> : vector<256x128xf32>
    %dot_general3A_611 = tpu.matmul %sub3A_581, %get3A_609, %dot_general3A_610 {dimension_numbers = #tpu.dot_dimension_numbers<[1], [1], [0], [0], [0, 0, 1, 0], [], []>, transpose_lhs_hint = false} : vector<256x128xf32>, vector<128x128xf32>, vector<256x128xf32> -> vector<256x128xf32>
    %add3A_612 = arith.addf %add3A_604, %dot_general3A_611 : vector<256x128xf32>
    %get3A_613 = arith.constant 6 : index
    %get3A_614 = arith.constant 0 : index
    %get3A_615 = arith.constant 0 : index
    %get3A_616 = vector.load %arg9[%get3A_613, %get3A_614, %get3A_615] : memref<8x128x128xf32, #tpu.memory_space<vmem>>, vector<1x128x128xf32>
    %get3A_617 = vector.shape_cast %get3A_616 : vector<1x128x128xf32> to vector<128x128xf32>
    %dot_general3A_618 = arith.constant dense<0.000000e+00> : vector<256x128xf32>
    %dot_general3A_619 = tpu.matmul %dot_general3A_561, %get3A_617, %dot_general3A_618 {dimension_numbers = #tpu.dot_dimension_numbers<[1], [1], [0], [0], [0, 0, 1, 0], [], []>, transpose_lhs_hint = false} : vector<256x128xf32>, vector<128x128xf32>, vector<256x128xf32> -> vector<256x128xf32>
    %get3A_620 = arith.constant 7 : index
    %get3A_621 = arith.constant 0 : index
    %get3A_622 = arith.constant 0 : index
    %get3A_623 = vector.load %arg9[%get3A_620, %get3A_621, %get3A_622] : memref<8x128x128xf32, #tpu.memory_space<vmem>>, vector<1x128x128xf32>
    %get3A_624 = vector.shape_cast %get3A_623 : vector<1x128x128xf32> to vector<128x128xf32>
    %dot_general3A_625 = arith.constant dense<0.000000e+00> : vector<256x128xf32>
    %dot_general3A_626 = tpu.matmul %dot_general3A_563, %get3A_624, %dot_general3A_625 {dimension_numbers = #tpu.dot_dimension_numbers<[1], [1], [0], [0], [0, 0, 1, 0], [], []>, transpose_lhs_hint = false} : vector<256x128xf32>, vector<128x128xf32>, vector<256x128xf32> -> vector<256x128xf32>
    %add3A_627 = arith.addf %dot_general3A_619, %dot_general3A_626 : vector<256x128xf32>
    %get3A_628 = arith.constant 2 : index
    %get3A_629 = arith.constant 0 : index
    %get3A_630 = arith.constant 0 : index
    %get3A_631 = vector.load %arg9[%get3A_628, %get3A_629, %get3A_630] : memref<8x128x128xf32, #tpu.memory_space<vmem>>, vector<1x128x128xf32>
    %get3A_632 = vector.shape_cast %get3A_631 : vector<1x128x128xf32> to vector<128x128xf32>
    %dot_general3A_633 = arith.constant dense<0.000000e+00> : vector<256x128xf32>
    %dot_general3A_634 = tpu.matmul %sub3A_579, %get3A_632, %dot_general3A_633 {dimension_numbers = #tpu.dot_dimension_numbers<[1], [1], [0], [0], [0, 0, 1, 0], [], []>, transpose_lhs_hint = false} : vector<256x128xf32>, vector<128x128xf32>, vector<256x128xf32> -> vector<256x128xf32>
    %add3A_635 = arith.addf %add3A_627, %dot_general3A_634 : vector<256x128xf32>
    %get3A_636 = arith.constant 3 : index
    %get3A_637 = arith.constant 0 : index
    %get3A_638 = arith.constant 0 : index
    %get3A_639 = vector.load %arg9[%get3A_636, %get3A_637, %get3A_638] : memref<8x128x128xf32, #tpu.memory_space<vmem>>, vector<1x128x128xf32>
    %get3A_640 = vector.shape_cast %get3A_639 : vector<1x128x128xf32> to vector<128x128xf32>
    %dot_general3A_641 = arith.constant dense<0.000000e+00> : vector<256x128xf32>
    %dot_general3A_642 = tpu.matmul %sub3A_581, %get3A_640, %dot_general3A_641 {dimension_numbers = #tpu.dot_dimension_numbers<[1], [1], [0], [0], [0, 0, 1, 0], [], []>, transpose_lhs_hint = false} : vector<256x128xf32>, vector<128x128xf32>, vector<256x128xf32> -> vector<256x128xf32>
    %add3A_643 = arith.addf %add3A_635, %dot_general3A_642 : vector<256x128xf32>
    %gt3A_644 = arith.constant 5.000000e-01 : f32
    %gt3A_645 = vector.broadcast %gt3A_644 : f32 to vector<256x1xf32>
    %gt3A_646 = arith.cmpf ogt, %get3A_525, %gt3A_645 : vector<256x1xf32>
    %broadcast_in_dim3A_647 = vector.shape_cast %gt3A_646 : vector<256x1xi1> to vector<256x1xi1>
    %broadcast_in_dim3A_648 = vector.broadcast %broadcast_in_dim3A_647 : vector<256x1xi1> to vector<256x128xi1>
    %select_n3A_649 = arith.select %broadcast_in_dim3A_648, %add3A_643, %add3A_612 : vector<256x128xi1>, vector<256x128xf32>
    %get3A_650 = arith.constant 0 : index
    %get3A_651 = arith.constant 0 : index
    %get3A_652 = vector.load %arg7[%get3A_650, %get3A_651] : memref<128x128xf32, #tpu.memory_space<vmem>>, vector<128x128xf32>
    %dot_general3A_653 = arith.constant dense<0.000000e+00> : vector<256x128xf32>
    %dot_general3A_654 = tpu.matmul %get3A_507, %get3A_652, %dot_general3A_653 {dimension_numbers = #tpu.dot_dimension_numbers<[1], [1], [0], [0], [0, 0, 1, 0], [], []>, transpose_lhs_hint = false} : vector<256x128xf32>, vector<128x128xf32>, vector<256x128xf32> -> vector<256x128xf32>
    %add3A_655 = vector.broadcast %get3A_12 : vector<1x128xf32> to vector<256x128xf32>
    %add3A_656 = arith.addf %dot_general3A_654, %add3A_655 : vector<256x128xf32>
    %add3A_657 = arith.addf %add3A_656, %select_n3A_649 : vector<256x128xf32>
    %max3A_658 = arith.constant 0.000000e+00 : f32
    %max3A_659 = vector.broadcast %max3A_658 : f32 to vector<256x128xf32>
    %max3A_660 = arith.maximumf %add3A_657, %max3A_659 : vector<256x128xf32>
    %swap3A_661 = arith.constant 0 : index
    %swap3A_662 = arith.constant 3 : index
    %swap3A_663 = arith.constant 0 : index
    %swap3A_664 = arith.constant 0 : index
    %swap3A_665 = vector.load %arg10[%swap3A_661, %swap3A_662, %swap3A_663, %swap3A_664] : memref<1x4x256x128xf32, #tpu.memory_space<vmem>>, vector<1x1x256x128xf32>
    %swap3A_666 = vector.shape_cast %swap3A_665 : vector<1x1x256x128xf32> to vector<256x128xf32>
    %swap3A_667 = vector.shape_cast %max3A_660 : vector<256x128xf32> to vector<1x1x256x128xf32>
    tpu.vector_store %arg10[%swap3A_661, %swap3A_662, %swap3A_663, %swap3A_664], %swap3A_667 {strides = array<i32>} : memref<1x4x256x128xf32, #tpu.memory_space<vmem>>, vector<1x1x256x128xf32>,
    return
  }
  func.func @transform_0(%arg0: i32) -> (i32, i32, i32, i32) {
    %c0_i32 = arith.constant 0 : i32
    %c0_i32_0 = arith.constant 0 : i32
    %c0_i32_1 = arith.constant 0 : i32
    %c0_i32_2 = arith.constant 0 : i32
    return %arg0, %c0_i32, %c0_i32_0, %c0_i32_1 : i32, i32, i32, i32
  }
  func.func @transform_1(%arg0: i32) -> (i32, i32, i32, i32) {
    %c0_i32 = arith.constant 0 : i32
    %c0_i32_0 = arith.constant 0 : i32
    %c0_i32_1 = arith.constant 0 : i32
    %c0_i32_2 = arith.constant 0 : i32
    return %arg0, %c0_i32, %c0_i32_0, %c0_i32_1 : i32, i32, i32, i32
  }
  func.func @transform_2(%arg0: i32) -> (i32, i32, i32, i32) {
    %c0_i32 = arith.constant 0 : i32
    %c0_i32_0 = arith.constant 0 : i32
    %c0_i32_1 = arith.constant 0 : i32
    %c0_i32_2 = arith.constant 0 : i32
    return %arg0, %c0_i32, %c0_i32_0, %c0_i32_1 : i32, i32, i32, i32
  }
  func.func @transform_3(%arg0: i32) -> (i32, i32, i32, i32) {
    %c0_i32 = arith.constant 0 : i32
    %c0_i32_0 = arith.constant 0 : i32
    %c0_i32_1 = arith.constant 0 : i32
    %c0_i32_2 = arith.constant 0 : i32
    return %arg0, %c0_i32, %c0_i32_0, %c0_i32_1 : i32, i32, i32, i32
  }
  func.func @transform_4(%arg0: i32) -> (i32, i32) {
    %c0_i32 = arith.constant 0 : i32
    %c0_i32_0 = arith.constant 0 : i32
    %c0_i32_1 = arith.constant 0 : i32
    return %c0_i32, %c0_i32_0 : i32, i32
  }
  func.func @transform_5(%arg0: i32) -> (i32, i32) {
    %c0_i32 = arith.constant 0 : i32
    %c0_i32_0 = arith.constant 0 : i32
    %c0_i32_1 = arith.constant 0 : i32
    return %c0_i32, %c0_i32_0 : i32, i32
  }
  func.func @transform_6(%arg0: i32) -> (i32, i32) {
    %c0_i32 = arith.constant 0 : i32
    %c0_i32_0 = arith.constant 0 : i32
    %c0_i32_1 = arith.constant 0 : i32
    return %c0_i32, %c0_i32_0 : i32, i32
  }
  func.func @transform_7(%arg0: i32) -> (i32, i32) {
    %c0_i32 = arith.constant 0 : i32
    %c0_i32_0 = arith.constant 0 : i32
    %c0_i32_1 = arith.constant 0 : i32
    return %c0_i32, %c0_i32_0 : i32, i32
  }
  func.func @transform_8(%arg0: i32) -> (i32, i32, i32) {
    %c0_i32 = arith.constant 0 : i32
    %c0_i32_0 = arith.constant 0 : i32
    %c0_i32_1 = arith.constant 0 : i32
    %c0_i32_2 = arith.constant 0 : i32
    return %c0_i32, %c0_i32_0, %c0_i32_1 : i32, i32, i32
  }
  func.func @transform_9(%arg0: i32) -> (i32, i32, i32, i32) {
    %c0_i32 = arith.constant 0 : i32
    %c0_i32_0 = arith.constant 0 : i32
    %c0_i32_1 = arith.constant 0 : i32
    %c0_i32_2 = arith.constant 0 : i32
    return %arg0, %c0_i32, %c0_i32_0, %c0_i32_1 : i32, i32, i32, i32
  }
}

</mosaic_0001>

<sc_bundles>
// kernel: kernel.4.cloned.1.call-start
scs
__scs_entry_jumppad:
0x0: {  	(pc) =	sbr.rel $0x88, $3  }
0x1: {  	(tag) =	ssettag $0x0;
	lr =	simm.s32 $0x1  }
0x2: {  	[smem:$0x3F98] =	sst lr;
	_ =	strace $0xD0000000  }
0x3: {  	_ = 	snop  }
0x4: {  	_ = 	snop  }
0x5: {  	_ = 	snop  }
0x6: {  	_ = 	snop  }
0x7: {  	_ = 	snop  }
__scs_overlays_trampoline_lowered:
0x8: {  	[smem:$0x3FA7] =	sst s0  }
0x9: {  	[smem:$0x3FA8] =	sst s1  }
0xa: {  	[smem:$0x3FA9] =	sst s2  }
0xb: {  	[smem:$0x3FAA] =	sst s3  }
0xc: {  	[smem:$0x3FAB] =	sst s4  }
0xd: {  	[smem:$0x3FAC] =	sst s5  }
0xe: {  	[smem:$0x3FAD] =	sst s6  }
0xf: {  	[smem:$0x3FAE] =	sst s7  }
0x10: {  	[smem:$0x3FAF] =	sst s8  }
0x11: {  	[smem:$0x3FB0] =	sst s9;
	s0 =	simm.s32 @!p0 $0x0  }
0x12: {  	s1 =	sld [smem:$0x3F96];
	s0 =	simm.s32 @p0 $0x1  }
0x13: {  	[smem:$0x3FB1] =	sst s0;
	s0 =	simm.s32 @!p1 $0x0  }
0x14: {  	s2 =	sld [smem:$0x3F95];
	s0 =	simm.s32 @p1 $0x1  }
0x15: {  	[smem:$0x3FB2] =	sst s0;
	s0 =	simm.s32 @!p2 $0x0  }
0x16: {  	s3 =	sld [smem:$0x3FDB];
	s0 =	simm.s32 @p2 $0x1  }
0x17: {  	s4 =	simm.s32 $0x1BF5;
	[smem:$0x3FB4] =	sst s0  }
0x18: {  	s0 =	sld [smem:$0x3F97];
	_ =	swait.ge [sflag:s4], $0x0  }
0x19: {  	s7 =	sld [smem:$0x3F98]  }
0x1a: {  	s8 =	sadd.s32 $0xFFFFE003, lr  }
0x1b: {  	s9 =	sadd.s32 $0xFFFFFEF7, lr;
	s5 =	simm.s32 $0xFFFFFFFF;
	p2 =	slt.u32 s8, $0xFFFFF086  }
0x1c: {  	p1 =	slt.u32 s9, $0xF7A;
	s5 =	simm.s32 @!p2 $0x0  }
0x1d: {  	s5 =	simm.s32 @p1 $0x1;
	p0 =	seq.s32 s7, s2  }
0x1e: {  	s7 =	smul.u32 @!p0 $0xF7A, s2;
	p2 =	seq.s32 @!p0 s5, $0x0  }
0x1f: {  	s9 =	smul.u32 $0xF7A, s1;
	s8 =	simm.s32 @!p0 $0x1BF5;
	p2 =	por !p2, p0  }
0x20: {  	[sflag:s8] =	ssyncset.s32 @!p0 $0xFFFFF086;
	s6 =	sadd.s32 @!p0 s3, s7;
	s7 =	simm.s32 @!p0 $0x108  }
0x21: {  	s3 =	sadd.s32 s3, s9;
	s6 =	sadd.s32 @!p0 $0x88, s6;
	s7 =	simm.s32 @p2 $0x1082  }
0x22: {  	[simem:s7], [sflag:s8] =	dma.local @!p0 [hbm:s6], $0xF7A  }
0x23: {  	s9 =	sor.u32 $0xD0000000, s2;
	s6 =	simm.s32 $0x108;
	_ =	swait.ge @!p0 [sflag:s8], $0x0  }
0x24: {  	s3 =	sadd.s32 $0x88, s3;
	s6 =	simm.s32 @!p1 $0x1082;
	[sflag:s4] =	ssyncset.s32 $0xFFFFF086  }
0x25: {  	[simem:s6], [sflag:s4] =	dma.local [hbm:s3], $0xF7A  }
0x26: {  	[smem:$0x3F98] =	sst s1;
	(tag) =	ssettag s2;
	_ =	strace s9  }
0x27: {  	s1 =	sld [smem:$0x3FA8]  }
0x28: {  	s2 =	sld [smem:$0x3FA9]  }
0x29: {  	s4 =	sld [smem:$0x3FAB]  }
0x2a: {  	p0 =	seq.s32 s5, $0x0;
	s5 =	sld [smem:$0x3FAC]  }
0x2b: {  	s6 =	sld [smem:$0x3FAD]  }
0x2c: {  	s7 =	sld [smem:$0x3FAE]  }
0x2d: {  	s3 =	simm.s32 $0x108;
	s8 =	sld [smem:$0x3FAF]  }
0x2e: {  	s3 =	simm.s32 @!p0 $0x1082;
	s9 =	sld [smem:$0x3FB0]  }
0x2f: {  	lr =	sadd.s32 s0, s3;
	s0 =	sld [smem:$0x3FA7]  }
0x30: {  	s3 =	sld [smem:$0x3FAA]  }
0x31: {  	[smem:$0x3FB3] =	sst s10  }
0x32: {  	s10 =	sld [smem:$0x3FB1];
	_ =	sdelay $0x3  }
0x33: {  	p0 =	seq.s32 s10, $0x1;
	s10 =	sld [smem:$0x3FB3];
	_ =	sdelay $0x3  }
0x34: {  	[smem:$0x3FB3] =	sst s10  }
0x35: {  	s10 =	sld [smem:$0x3FB2];
	_ =	sdelay $0x3  }
0x36: {  	p1 =	seq.s32 s10, $0x1;
	s10 =	sld [smem:$0x3FB3];
	_ =	sdelay $0x3  }
0x37: {  	[smem:$0x3FB3] =	sst s10  }
0x38: {  	s10 =	sld [smem:$0x3FB4]  }
0x39: {  	_ = 	snop;
	(pc) =	sbr.ind lr, $3  }
0x3a: {  	_ = 	snop  }
0x3b: {  	_ = 	snop  }
0x3c: {  	p2 =	seq.s32 s10, $0x1;
	s10 =	sld [smem:$0x3FB3]  }
0x3d: {  	_ =	shalt  }
0x3e: {  	_ =	shalt  }
0x3f: {  	_ =	shalt  }
0x40: {  	_ =	shalt  }
0x41: {  	_ =	shalt  }
0x42: {  	_ =	shalt  }
0x43: {  	_ =	shalt  }
0x44: {  	_ =	shalt  }
0x45: {  	_ =	shalt  }
0x46: {  	_ =	shalt  }
0x47: {  	_ =	shalt  }
0x48: {  	_ =	shalt  }
0x49: {  	_ =	shalt  }
0x4a: {  	_ =	shalt  }
0x4b: {  	_ =	shalt  }
0x4c: {  	_ =	shalt  }
0x4d: {  	_ =	shalt  }
0x4e: {  	_ =	shalt  }
0x4f: {  	_ =	shalt  }
0x50: {  	_ =	shalt  }
0x51: {  	_ =	shalt  }
0x52: {  	_ =	shalt  }
0x53: {  	_ =	shalt  }
0x54: {  	_ =	shalt  }
0x55: {  	_ =	shalt  }
0x56: {  	_ =	shalt  }
0x57: {  	_ =	shalt  }
0x58: {  	_ =	shalt  }
0x59: {  	_ =	shalt  }
0x5a: {  	_ =	shalt  }
0x5b: {  	_ =	shalt  }
0x5c: {  	_ =	shalt  }
0x5d: {  	_ =	shalt  }
0x5e: {  	_ =	shalt  }
0x5f: {  	_ =	shalt  }
0x60: {  	_ =	shalt  }
0x61: {  	_ =	shalt  }
0x62: {  	_ =	shalt  }
0x63: {  	_ =	shalt  }
0x64: {  	_ =	shalt  }
0x65: {  	_ =	shalt  }
0x66: {  	_ =	shalt  }
0x67: {  	_ =	shalt  }
0x68: {  	_ =	shalt  }
0x69: {  	_ =	shalt  }
0x6a: {  	_ =	shalt  }
0x6b: {  	_ =	shalt  }
0x6c: {  	_ =	shalt  }
0x6d: {  	_ =	shalt  }
0x6e: {  	_ =	shalt  }
0x6f: {  	_ =	shalt  }
0x70: {  	_ =	shalt  }
0x71: {  	_ =	shalt  }
0x72: {  	_ =	shalt  }
0x73: {  	_ =	shalt  }
0x74: {  	_ =	shalt  }
0x75: {  	_ =	shalt  }
0x76: {  	_ =	shalt  }
0x77: {  	_ =	shalt  }
0x78: {  	_ =	shalt  }
0x79: {  	_ =	shalt  }
0x7a: {  	_ =	shalt  }
0x7b: {  	_ =	shalt  }
0x7c: {  	_ =	shalt  }
0x7d: {  	_ =	shalt  }
0x7e: {  	_ =	shalt  }
0x7f: {  	_ =	shalt  }
0x80: {  	_ =	shalt  }
0x81: {  	_ =	shalt  }
0x82: {  	_ =	shalt  }
0x83: {  	_ =	shalt  }
0x84: {  	_ =	shalt  }
0x85: {  	_ =	shalt  }
0x86: {  	_ =	shalt  }
0x87: {  	_ =	shalt  }
.Lfunc_end0:
.L_simem_size_0:
called_computation_lowered:
.L_overlay_start_0:
0x88: {  	s2 =	sld [smem:$0x3FD9]  }
0x89: {  	s3 =	sld [smem:$0x3FFE];
	_ =	sdelay $0x1  }
0x8a: {  	s1 =	srdreg.scid  }
0x8b: {  	s0 =	sand.u32 $0x1, s1  }
0x8c: {  	s18 =	sshll.u32 s0, $0xA;
	s2 =	sadd.s32 s3, s2  }
0x8d: {  	s2 =	sadd.s32 s2, s18  }
0x8e: {  	[smem:$0x3FBF] =	sst s2  }
0x8f: {  	_ = 	snop  }
0x90: {  	s2 =	sld [smem:$0x3FC9]  }
0x91: {  	s19 =	sld [smem:$0x3FC8]  }
0x92: {  	s4 =	sld [smem:$0x3FD0];
	(tm) =	ssettm $0x1  }
0x93: {  	s5 =	sld [smem:$0x3FFB];
	_ =	sdelay $0x3  }
0x94: {  	_ =	strace s5  }
0x95: {  	s5 =	sld [smem:$0x3FFC];
	_ =	sdelay $0x3  }
0x96: {  	_ =	strace s5  }
0x97: {  	s5 =	sld [smem:$0x3FFD];
	_ =	sdelay $0x3  }
0x98: {  	_ =	strace s5  }
0x99: {  	_ =	strace $0x8FFFFFFF  }
0x9a: {  	s20 =	sld [smem:$0x3FDB];
	_ =	sdelay $0x1  }
0x9b: {  	s6 =	simm.s32 $_scs_section_size  }
0x9c: {  	s7 =	simm.s32 $_size__tile_overlayer_lowered;
	s8 =	simm.s32 $_tile_overlayer_lowered  }
0x9d: {  	s23 =	simm.s32 $0x1BFF;
	s22 =	sshll.u32 s8, $0x1;
	s5 =	sadd.s32 s6, s20  }
0x9e: {  	s9 =	simm.s32 $0x0;
	s21 =	sshll.u32 s7, $0x1;
	s7 =	sadd.s32 s22, s5  }
0x9f: {  	[timem:s9], [sflag:s23] =	dma.local [hbm:s7], s21  }
0xa0: {  	_ =	swait.ge [sflag:s23], s21  }
0xa1: {  	s6 =	ssub.s32 $0x0, s21;
	[sflag:s23] =	ssyncset.done $0x0  }
0xa2: {  	[sflag:s23] =	ssyncadd.s32 s6;
	_ =	sdelay $0x1  }
0xa3: {  	s24 =	simm.s32 $0x1B8B  }
0xa4: {  	_ =	swait.ge [sflag:s24], $0x1  }
0xa5: {  	[sflag:s24] =	ssyncset.done $0x0  }
0xa6: {  	s25 =	simm.s32 $0x1B8E;
	[sflag:s24] =	ssyncadd.s32 $0xFFFFFFFF  }
0xa7: {  	s26 =	simm.s32 $execute0_lowered;
	[smem:$0x3FD2] =	sst s25  }
0xa8: {  	s6 =	sshll.u32 s26, $0x1;
	_ =	strace $0x80000046;
	[dreg:$0x1] =	wrdreg $0xFFFFFFFF  }
0xa9: {  	s28 =	simm.s32 $_size_execute0_lowered;
	s5 =	sadd.s32 s5, s6;
	[dreg:$0x0] =	wrdreg $0x0  }
0xaa: {  	s6 =	sshll.u32 s28, $0x1;
	[dreg:$0x2] =	wrdreg s5  }
0xab: {  	[dreg:$0x3] =	wrdreg s6  }
0xac: {  	[dreg:$0x4] =	wrdreg $0xC0  }
0xad: {  	_ =	task [dreg:s9], $0x5FFFF  }
0xae: {  	[dreg:$0x1] =	wrdreg $0xFFFFFFFF  }
0xaf: {  	[dreg:$0x0] =	wrdreg $0x60  }
0xb0: {  	[dreg:$0x2] =	wrdreg s2  }
0xb1: {  	[dreg:$0x3] =	wrdreg s19  }
0xb2: {  	[dreg:$0x4] =	wrdreg s4  }
0xb3: {  	[dreg:$0x5] =	wrdreg $0x9  }
0xb4: {  	_ =	task.clear_ibuf [dreg:s9], $0x6FFFF;
	_ =	strace $0x90000046  }
0xb5: {  	s29 =	simm.s32 $0x9;
	_ =	strace $0x80000048  }
0xb6: {  	_ =	swait.ge [sflag:s29], $0x1  }
0xb7: {  	[sflag:s29] =	ssyncadd.s32 $0xFFFFFFFF  }
0xb8: {  	_ =	strace $0x90000048  }
0xb9: {  	_ =	sfence  }
0xba: {  	s30 =	sld [smem:$0x0];
	_ =	sdelay $0x2  }
0xbb: {  	s31 =	sshll.u32 s1, $0xD;
	s1 =	sshrl.u32 s1, $0x2  }
0xbc: {  	s3 =	sand.u32 $0x4000, s31;
	s1 =	sadd.s32 s1, s30  }
0xbd: {  	s0 =	sor.u32 s3, s0;
	s1 =	sshll.u32 s1, $0x11  }
0xbe: {  	s0 =	sor.u32 s1, s0  }
0xbf: {  	s0 =	sadd.s32 $0x8F2B, s0  }
0xc0: {  	[sflag:s0] =	ssyncadd.remote.s32 $0x1  }
0xc1: {  	_ =	sfence.sel $0xFFFF  }
0xc2: {  	[dreg:$0x0] =	wrdreg $0xFFFFFFFF;
	(pc) =	sbr.abs _section_cstart, $3  }
0xc3: {  	[dreg:$0x1] =	wrdreg $0xFFFFFFFF  }
0xc4: {  	_ =	task.clear_ibuf [dreg:s9], $0x2FFFF;
	_ =	strace $0x9FFFFFFF  }
0xc5: {  	(tm) =	ssettm $0x7FFFFFFF  }
tec
execute0_lowered:
.L_overlay_start_1:
0x0: {  	(tag) =	ssettag $0x1  }
0x1: {  	s2 =	rddreg [dreg:$0x0]  }
0x2: {  	s4 =	rddreg [dreg:$0x1]  }
0x3: {  	s1 =	srdreg.scid;
	s0 =	stileid.u32  }
0x4: {  	s12 =	rddreg [dreg:$0x2];
	s13 =	sand.u32 $0x1, s1;
	s5 =	sshll.u32 s0, $0x1  }
0x5: {  	s3 =	simm.s32 $0x0;
	s1 =	rddreg [dreg:$0x3];
	s14 =	sor.u32 s13, s5  }
0x6: {  	[smem:$0x7FF] =	sst s3;
	s5 =	sshll.u32 s14, $0x4  }
0x7: {  	_ =	strace $0x80000047;
	s5 =	sadd.s32 s4, s5;
	s4 =	simm.s32 $0x3  }
0x8: {  	[tilespmem:s3], [sflag:$0x3] =	stream.linear.gather [hbm4b:s5+s3], $0x20, $0x38;
	[tilespmem:$0x2100] =	vst v63  }
0x9: {  	_ =	swait.ge [sflag:s4], $0x20  }
0xa: {  	[sflag:s4] =	ssyncset.done $0x0  }
0xb: {  	[sflag:s4] =	ssyncadd.s32 $0xFFFFFFE0  }
0xc: {  	v1 =	vld [tilespmem:$0x0]  }
0xd: {  	v2 =	vld [tilespmem:$0x10];
	_ =	sdelay $0x1  }
0xe: {  	s6 =	sshll.u32 s14, $0xD  }
0xf: {  	v0 =	vmov s6  }
0x10: {  	v1 =	vadd.s32 v0, v1  }
0x11: {  	[tilespmem:$0x0] =	vst v1;
	v1 =	vadd.s32 v0, v2  }
0x12: {  	s7 =	simm.s32 $0x100;
	s6 =	simm.s32 $0x20;
	[tilespmem:$0x10] =	vst v1  }
0x13: {  	[tilespmem:s7], [sflag:$0x1] =	stream.indirect.gather [hbm4b:s2+s6], $0x80, s3, s6, $0xb8;
	[tilespmem:$0x2100] =	vst v63  }
0x14: {  	s9 =	simm.s32 $0x80;
	s8 =	sadd.s32 $0x4, s5  }
0x15: {  	[tilespmem:s9], [sflag:$0x3] =	stream.linear.gather [hbm4b:s8+s3], $0x20, $0x38;
	[tilespmem:$0x2100] =	vst v63  }
0x16: {  	_ =	swait.ge [sflag:s4], $0x20  }
0x17: {  	[sflag:s4] =	ssyncset.done $0x0  }
0x18: {  	[sflag:s4] =	ssyncadd.s32 $0xFFFFFFE0  }
0x19: {  	v1 =	vld [tilespmem:$0x80]  }
0x1a: {  	v2 =	vld [tilespmem:$0x90];
	_ =	sdelay $0x3  }
0x1b: {  	v1 =	vadd.s32 v0, v1  }
0x1c: {  	[tilespmem:$0x80] =	vst v1;
	v1 =	vadd.s32 v0, v2  }
0x1d: {  	s10 =	simm.s32 $0x1100;
	s11 =	simm.s32 $0x1;
	[tilespmem:$0x90] =	vst v1  }
0x1e: {  	[tilespmem:s10], [sflag:$0x2] =	stream.indirect.gather [hbm4b:s2+s6], $0x80, s9, s6, $0xb8;
	[tilespmem:$0x2100] =	vst v63  }
0x1f: {  	s31 =	ssub.s32 $0x2, s13;
	_ =	swait.ge [sflag:s11], $0x1000  }
0x20: {  	s14 =	sshll.u32 s14, $0xA;
	s15 =	sshrl.u32 s31, $0x1;
	[sflag:s11] =	ssyncset.done $0x0  }
0x21: {  	s12 =	sadd.s32 s12, s14;
	s15 =	ssub.s32 s31, s15;
	[sflag:s11] =	ssyncadd.s32 $0xFFFFF000  }
0x22: {  	[hbm4b:s12+s3] =	stream.linear.scatter [tilespmem:s7], [sflag:$0x3], $0x1000, $0x38;
	[tilespmem:$0x2100] =	vst v63  }
0x23: {  	s15 =	smax.u32 s15, $0x1;
	_ =	swait.ge [sflag:s4], $0x1000  }
0x24: {  	p0 =	sne.s32 s15, $0x1;
	[sflag:s4] =	ssyncset.done $0x0  }
.Ltmp0:
0x25: {  	s13 =	simm.s32 $0x2;
	[sflag:s4] =	ssyncadd.s32 $0xFFFFF000;
	(pc) =	sbr.rel @!p0 .LBB2_2-.Ltmp0, $4  }
0x26: {  	_ =	swait.ge [sflag:s13], $0x1000  }
0x27: {  	[sflag:s13] =	ssyncset.done $0x0  }
0x28: {  	s14 =	sadd.s32 $0x200, s12;
	s15 =	sadd.s32 $0xFFFFFFFF, s15;
	[sflag:s13] =	ssyncadd.s32 $0xFFFFF000  }
0x29: {  	[hbm4b:s14+s3] =	stream.linear.scatter [tilespmem:s10], [sflag:$0x3], $0x1000, $0x38;
	[tilespmem:$0x2100] =	vst v63  }
.LBB2_1:
0x2a: {  	p0 =	sne.s32 s15, $0x1;
	s15 =	sadd.s32 $0xFFFFFFFF, s15;
	_ =	swait.ge [sflag:s4], $0x1000  }
0x2b: {  	[sflag:s4] =	ssyncset.done $0x0  }
0x2c: {  	[sflag:s4] =	ssyncadd.s32 $0xFFFFF000  }
0x2d: {  	[tilespmem:s3], [sflag:$0x3] =	stream.linear.gather [hbm4b:s5+s3], $0x20, $0x38;
	[tilespmem:$0x2100] =	vst v63  }
0x2e: {  	_ =	swait.ge [sflag:s4], $0x20  }
0x2f: {  	[sflag:s4] =	ssyncset.done $0x0  }
0x30: {  	[sflag:s4] =	ssyncadd.s32 $0xFFFFFFE0  }
0x31: {  	v1 =	vld [tilespmem:$0x0]  }
0x32: {  	v2 =	vld [tilespmem:$0x10];
	_ =	sdelay $0x3  }
0x33: {  	v1 =	vadd.s32 v0, v1  }
0x34: {  	[tilespmem:$0x0] =	vst v1;
	v1 =	vadd.s32 v0, v2  }
0x35: {  	[tilespmem:$0x10] =	vst v1  }
0x36: {  	[tilespmem:s7], [sflag:$0x1] =	stream.indirect.gather [hbm4b:s2+s6], $0x80, s3, s6, $0xb8;
	[tilespmem:$0x2100] =	vst v63  }
0x37: {  	_ = 	snop  }
0x38: {  	[tilespmem:s9], [sflag:$0x3] =	stream.linear.gather [hbm4b:s8+s3], $0x20, $0x38;
	[tilespmem:$0x2100] =	vst v63  }
0x39: {  	_ =	swait.ge [sflag:s4], $0x20  }
0x3a: {  	[sflag:s4] =	ssyncset.done $0x0  }
0x3b: {  	[sflag:s4] =	ssyncadd.s32 $0xFFFFFFE0  }
0x3c: {  	v1 =	vld [tilespmem:$0x80]  }
0x3d: {  	v2 =	vld [tilespmem:$0x90];
	_ =	sdelay $0x3  }
0x3e: {  	v1 =	vadd.s32 v0, v1  }
0x3f: {  	[tilespmem:$0x80] =	vst v1;
	v1 =	vadd.s32 v0, v2  }
0x40: {  	[tilespmem:$0x90] =	vst v1  }
0x41: {  	[tilespmem:s10], [sflag:$0x2] =	stream.indirect.gather [hbm4b:s2+s6], $0x80, s9, s6, $0xb8;
	[tilespmem:$0x2100] =	vst v63  }
0x42: {  	_ =	swait.ge [sflag:s11], $0x1000  }
0x43: {  	[sflag:s11] =	ssyncset.done $0x0  }
0x44: {  	[sflag:s11] =	ssyncadd.s32 $0xFFFFF000  }
0x45: {  	[hbm4b:s12+s3] =	stream.linear.scatter [tilespmem:s7], [sflag:$0x3], $0x1000, $0x38;
	[tilespmem:$0x2100] =	vst v63  }
0x46: {  	_ =	swait.ge [sflag:s4], $0x1000  }
0x47: {  	[sflag:s4] =	ssyncset.done $0x0  }
.Ltmp1:
0x48: {  	[sflag:s4] =	ssyncadd.s32 $0xFFFFF000;
	(pc) =	sbr.rel @p0 .LBB2_1-.Ltmp1, $4  }
0x49: {  	_ =	swait.ge [sflag:s13], $0x1000  }
0x4a: {  	[sflag:s13] =	ssyncset.done $0x0  }
0x4b: {  	[sflag:s13] =	ssyncadd.s32 $0xFFFFF000  }
0x4c: {  	[hbm4b:s14+s3] =	stream.linear.scatter [tilespmem:s10], [sflag:$0x3], $0x1000, $0x38;
	[tilespmem:$0x2100] =	vst v63  }
.LBB2_2:
0x4d: {  	_ =	swait.ge [sflag:s4], $0x1000  }
0x4e: {  	[sflag:s4] =	ssyncset.done $0x0  }
0x4f: {  	[sflag:s4] =	ssyncadd.s32 $0xFFFFF000  }
0x50: {  	_ =	sfence.sel $0x180000  }
0x51: {  	[bflag:$0x0] =	sbarrier.arrive $0xFFFF  }
0x52: {  	p0 =	sne.s32 s0, $0x0;
	_ =	strace $0x90000047  }
0x53: {  	s0 =	sadd.s32 @!p0 $0x100000, s1;
	[bflag:$0x2] =	sbarrier.arrive $0xFFFF  }
0x54: {  	[sflag:s0] =	ssyncadd.tile.s32 @!p0 $0x1;
	_ =	shalt  }
.Lfunc_end2:
_tile_overlayer_lowered:
.L_overlay_start_2:
0x55: {  	(tag) =	ssettag $0x2  }
0x56: {  	s0 =	rddreg [dreg:$0x0];
	s2 =	stileid.u32  }
0x57: {  	s1 =	rddreg [dreg:$0x1];
	p0 =	sne.s32 s2, $0x0  }
0x58: {  	s3 =	rddreg [dreg:$0x2];
	[bflag:$0x3] =	sbarrier.arrive $0xFFFF;
	s2 =	simm.s32 @!p0 $0x1C03  }
0x59: {  	[timem:s3], [sflag:s2] =	dma.local @!p0 [hbm:s0], s1  }
0x5a: {  	s0 =	simm.s32 @!p0 $0x3  }
0x5b: {  	_ =	swait.ge @!p0 [sflag:s0], s1  }
0x5c: {  	s1 =	ssub.s32 @!p0 $0x0, s1;
	[sflag:s0] =	ssyncset.done @!p0 $0x0  }
0x5d: {  	[sflag:s0] =	ssyncadd.s32 @!p0 s1  }
0x5e: {  	[bflag:$0x3] =	sbarrier.arrive $0xFFFF  }
0x5f: {  	_ =	shalt  }

</sc_bundles>
